<compile_context>
chip_gen: v7x
topology: tpu7x:2x2x1
jax: 0.10.2.dev20260603
libtpu: 0.0.44.dev20260713+nightly
codegen_flags: <defaults>
</compile_context>

<pallas_src>
import jax
import jax.numpy as jnp
from jax import lax
from jax.experimental import pallas as pl
from jax.experimental.pallas import tpu as pltpu
from jax.experimental.pallas import tpu_sc as plsc

B, N, C = 8, 16384, 6
K = 1024
L = 16
TPB = 4
BPC = B // 2
NCHUNK = N // TPB
KPT = K // TPB
UNROLL = 8
SLOT = 2 * L
INT_MAX = 2**31 - 1


def _fps_body(pts, out, ch0, ch1, ch2, ch3, ch4, ch5,
              dists, idxc, outb, pub, tourn, shared):
    c = lax.axis_index("c")
    s = lax.axis_index("s")
    gg = s // TPB
    q = s % TPB
    b = c * BPC + gg
    doff = q * NCHUNK

    chans = (ch0, ch1, ch2, ch3, ch4, ch5)
    for ci in range(C):
        pltpu.sync_copy(pts.at[b, ci], chans[ci])

    inf_vec = jnp.full((L,), jnp.inf, jnp.float32)

    @plsc.parallel_loop(0, NCHUNK, step=L, unroll=UNROLL)
    def _init(v):
        dists[pl.ds(v, L)] = inf_vec

    lane = lax.iota(jnp.int32, L)

    def outer(i, far_vec):
        cx = plsc.load_gather(ch0, [far_vec])
        cy = plsc.load_gather(ch1, [far_vec])
        cz = plsc.load_gather(ch2, [far_vec])

        @pl.when((i // KPT) == q)
        def _():
            plsc.store_scatter(idxc, [jnp.full((L,), i % KPT, jnp.int32)],
                               far_vec, mask=(lane == 0))

        best0 = jnp.full((L,), -1.0, jnp.float32)
        bidx0 = jnp.zeros((L,), jnp.int32)

        @plsc.parallel_loop(0, NCHUNK, step=L, unroll=UNROLL,
                            carry=(best0, bidx0))
        def inner(o, carry):
            best, bidx = carry
            xv = ch0[pl.ds(doff + o, L)]
            yv = ch1[pl.ds(doff + o, L)]
            zv = ch2[pl.ds(doff + o, L)]
            dx = xv - cx
            dy = yv - cy
            dz = zv - cz
            t = (dx * dx + dz * dz) + dy * dy
            dv = jnp.minimum(dists[pl.ds(o, L)], t)
            dists[pl.ds(o, L)] = dv
            m = dv > best
            best = jnp.maximum(best, dv)
            bidx = jnp.where(m, jnp.full((L,), doff + o, jnp.int32), bidx)
            return best, bidx

        best, bidx = inner
        bidx = bidx + lane

        gmax = jnp.max(best)
        cand = jnp.where(best == gmax, bidx, jnp.full((L,), INT_MAX, jnp.int32))
        lwin_vec = jnp.full((L,), jnp.min(cand), jnp.int32)

        par = i & 1
        pub[pl.ds(0, L)] = jnp.full((L,), gmax, jnp.float32)
        pub[pl.ds(L, L)] = plsc.bitcast(lwin_vec, jnp.float32)
        pltpu.sync_copy(pub, shared.at[pl.ds((par * 16 + s) * SLOT, SLOT)])
        plsc.subcore_barrier()
        pltpu.sync_copy(
            shared.at[pl.ds((par * 16 + gg * TPB) * SLOT, TPB * SLOT)], tourn)

        bv = tourn[pl.ds(0, L)]
        bi = plsc.bitcast(tourn[pl.ds(L, L)], jnp.int32)
        for j in range(1, TPB):
            vj = tourn[pl.ds(j * SLOT, L)]
            ij = plsc.bitcast(tourn[pl.ds(j * SLOT + L, L)], jnp.int32)
            better = (vj > bv) | ((vj == bv) & (ij < bi))
            bv = jnp.where(better, vj, bv)
            bi = jnp.where(better, ij, bi)

        zeros = jnp.zeros((L,), jnp.int32)
        return jnp.minimum(jnp.maximum(bi, zeros),
                           jnp.full((L,), N - 1, jnp.int32))

    lax.fori_loop(0, K, outer, jnp.zeros((L,), jnp.int32))

    for j in range(KPT // L):
        iv = idxc[pl.ds(j * L, L)]
        for ci in range(C):
            outb[ci, pl.ds(j * L, L)] = plsc.load_gather(chans[ci], [iv])
    for ci in range(C):
        pltpu.sync_copy(outb.at[ci], out.at[b, ci, pl.ds(q * KPT, KPT)])


def _make_fps():
    mesh = plsc.VectorSubcoreMesh(core_axis_name="c", subcore_axis_name="s",
                                  num_cores=2, num_subcores=16)
    return pl.kernel(
        _fps_body,
        out_type=jax.ShapeDtypeStruct((B, C, K), jnp.float32),
        mesh=mesh,
        compiler_params=pltpu.CompilerParams(needs_layout_passes=False),
        scratch_types=[
            pltpu.VMEM((N,), jnp.float32),
            pltpu.VMEM((N,), jnp.float32),
            pltpu.VMEM((N,), jnp.float32),
            pltpu.VMEM((N,), jnp.float32),
            pltpu.VMEM((N,), jnp.float32),
            pltpu.VMEM((N,), jnp.float32),
            pltpu.VMEM((NCHUNK,), jnp.float32),
            pltpu.VMEM((KPT,), jnp.int32),
            pltpu.VMEM((C, KPT), jnp.float32),
            pltpu.VMEM((SLOT,), jnp.float32),
            pltpu.VMEM((TPB * SLOT,), jnp.float32),
            pltpu.VMEM_SHARED((2 * 16 * SLOT,), jnp.float32),
        ],
    )


@jax.jit
def kernel(points):
    pts_t = jnp.transpose(points, (0, 2, 1))
    out_t = _make_fps()(pts_t)
    return jnp.transpose(out_t, (0, 2, 1))

# --- scband reference (transcript-rebuilt; emitter-appended) ---
"""Pipeline reference for scband-point-cloud-subsampling-10393820856387 (READ-ONLY COPY).

The authoritative reference and input builder live on the scoring server;
editing this copy changes nothing except your own understanding.
"""

import jax, jax.numpy as jnp
import numpy as np


def _fps_indices(xyz, K):
    # Iterative farthest point sampling. Deterministic start at index 0
    # (original uses random_start_point=True; fixed start keeps the reference reproducible).
    B, N, _ = xyz.shape
    start = jnp.zeros((B,), dtype=jnp.int32)
    dists0 = jnp.full((B, N), jnp.inf, dtype=xyz.dtype)
    idx0 = jnp.zeros((B, K), dtype=jnp.int32)

    def body(i, state):
        dists, idx, farthest = state
        centroid = jnp.take_along_axis(xyz, farthest[:, None, None], axis=1)  # [B,1,3]
        d = jnp.sum((xyz - centroid) ** 2, axis=-1)  # [B,N]
        dists = jnp.minimum(dists, d)
        idx = idx.at[:, i].set(farthest)
        farthest = jnp.argmax(dists, axis=-1).astype(jnp.int32)
        return (dists, idx, farthest)

    _, idx, _ = jax.lax.fori_loop(0, K, body, (dists0, idx0, start))
    return idx


def setup_inputs(seed: int = 0) -> dict:
    key = jax.random.key(seed)
    points = jax.random.normal(key, (8, 16384, 6), dtype=jnp.float32)
    return {"points": points}


def reference(points):
    K = 1024  # num_points from init_kwargs, strategy='fps'
    xyz = points[:, :, :3].astype(jnp.float32)
    idx = _fps_indices(xyz, K)  # [B, K] int32
    # masked_gather: gather selected points across all channels
    data = jnp.take_along_axis(points, idx[:, :, None], axis=1)  # [B, K, C]
    return data

if __name__ == "__main__":
    import jax
    _d = setup_inputs()
    print(jax.jit(kernel)(*tuple(_d.values())))

</pallas_src>

<mosaic_0001>
#map = affine_map<(d0, d1) -> (0, 0, 0)>
module attributes {stable_mosaic.version = 14 : i64} {
  func.func @_fps_body(%arg0: i32, %arg1: i32, %arg2: memref<8x6x16384xf32, #tpu.memory_space<hbm>>, %arg3: memref<8x6x1024xf32, #tpu.memory_space<hbm>>, %arg4: memref<16384xf32, #tpu.memory_space<vmem>>, %arg5: memref<16384xf32, #tpu.memory_space<vmem>>, %arg6: memref<16384xf32, #tpu.memory_space<vmem>>, %arg7: memref<16384xf32, #tpu.memory_space<vmem>>, %arg8: memref<16384xf32, #tpu.memory_space<vmem>>, %arg9: memref<16384xf32, #tpu.memory_space<vmem>>, %arg10: memref<4096xf32, #tpu.memory_space<vmem>>, %arg11: memref<256xi32, #tpu.memory_space<vmem>>, %arg12: memref<6x256xf32, #tpu.memory_space<vmem>>, %arg13: memref<32xf32, #tpu.memory_space<vmem>>, %arg14: memref<128xf32, #tpu.memory_space<vmem>>, %arg15: memref<1024xf32, #tpu.memory_space<vmem_shared>>) attributes {dimension_semantics = [#tpu.dimension_semantics<core_parallel>, #tpu.dimension_semantics<subcore_parallel>], iteration_bounds = array<i64: 2, 16>, scalar_prefetch = 0 : i64, scratch_operands = 12 : i64, tpu.core_type = #tpu.core_type<sc_vector_subcore>, window_params = [{transform_indices = #map}, {transform_indices = #map}]} {
    %jit3A = arith.constant 4 : i32
    %div3A = arith.divsi %arg1, %jit3A : i32
    %sign3A = arith.constant 0 : i32
    %sign3A_0 = arith.cmpi sgt, %arg1, %sign3A : i32
    %sign3A_1 = arith.extui %sign3A_0 : i1 to i32
    %sign3A_2 = arith.constant 0 : i32
    %sign3A_3 = arith.cmpi slt, %arg1, %sign3A_2 : i32
    %sign3A_4 = arith.extui %sign3A_3 : i1 to i32
    %sign3A_5 = arith.subi %sign3A_1, %sign3A_4 : i32
    %sign3A_6 = arith.constant 0 : i32
    %sign3A_7 = arith.cmpi sgt, %jit3A, %sign3A_6 : i32
    %sign3A_8 = arith.extui %sign3A_7 : i1 to i32
    %sign3A_9 = arith.constant 0 : i32
    %sign3A_10 = arith.cmpi slt, %jit3A, %sign3A_9 : i32
    %sign3A_11 = arith.extui %sign3A_10 : i1 to i32
    %sign3A_12 = arith.subi %sign3A_8, %sign3A_11 : i32
    %ne3A = arith.cmpi ne, %sign3A_5, %sign3A_12 : i32
    %rem3A = arith.remsi %arg1, %jit3A : i32
    %ne3A_13 = arith.constant 0 : i32
    %ne3A_14 = arith.cmpi ne, %rem3A, %ne3A_13 : i32
    %and3A = arith.andi %ne3A, %ne3A_14 : i1
    %sub3A = arith.constant 1 : i32
    %sub3A_15 = arith.subi %div3A, %sub3A : i32
    %select_n3A = arith.select %and3A, %sub3A_15, %div3A : i32
    %jit3A_16 = arith.constant 4 : i32
    %eq3A = arith.constant 0 : i32
    %eq3A_17 = arith.cmpi eq, %jit3A_16, %eq3A : i32
    %jit3A_18 = arith.constant 1 : i32
    %select_n3A_19 = arith.select %eq3A_17, %jit3A_18, %jit3A_16 : i32
    %rem3A_20 = arith.remsi %arg1, %select_n3A_19 : i32
    %ne3A_21 = arith.constant 0 : i32
    %ne3A_22 = arith.cmpi ne, %rem3A_20, %ne3A_21 : i32
    %lt3A = arith.constant 0 : i32
    %lt3A_23 = arith.cmpi slt, %rem3A_20, %lt3A : i32
    %lt3A_24 = arith.constant 0 : i32
    %lt3A_25 = arith.cmpi slt, %select_n3A_19, %lt3A_24 : i32
    %ne3A_26 = arith.xori %lt3A_23, %lt3A_25 : i1
    %and3A_27 = arith.andi %ne3A_26, %ne3A_22 : i1
    %add3A = arith.addi %rem3A_20, %select_n3A_19 : i32
    %select_n3A_28 = arith.select %and3A_27, %add3A, %rem3A_20 : i32
    %mul3A = arith.constant 4 : i32
    %mul3A_29 = arith.muli %arg0, %mul3A : i32
    %add3A_30 = arith.addi %mul3A_29, %select_n3A : i32
    %mul3A_31 = arith.constant 4096 : i32
    %mul3A_32 = arith.muli %select_n3A_28, %mul3A_31 : i32
    %run_scoped3A = arith.constant 0 : i32
    "tpu.region"() ({
      %run_scoped3A_581 = tpu.sem_alloc : memref<!tpu.dma_semaphore, #tpu.memory_space<semaphore_mem>>
      %dma_start3A = arith.constant 0 : i32
      %dma_start3A_582 = tpu.memref_slice %arg2[%add3A_30, %run_scoped3A, %dma_start3A] : memref<8x6x16384xf32, #tpu.memory_space<hbm>> -> memref<1x1x16384xf32, #tpu.memory_space<hbm>>
      %dma_start3A_583 = tpu.memref_squeeze %dma_start3A_582 : memref<1x1x16384xf32, #tpu.memory_space<hbm>> -> memref<16384xf32, #tpu.memory_space<hbm>>
      %dma_start3A_584 = arith.constant 0 : i32
      %dma_start3A_585 = tpu.memref_slice %arg2[%add3A_30, %run_scoped3A, %dma_start3A_584] : memref<8x6x16384xf32, #tpu.memory_space<hbm>> -> memref<1x1x16384xf32, #tpu.memory_space<hbm>>
      %dma_start3A_586 = tpu.memref_squeeze %dma_start3A_585 : memref<1x1x16384xf32, #tpu.memory_space<hbm>> -> memref<16384xf32, #tpu.memory_space<hbm>>
      tpu.enqueue_dma source(%dma_start3A_586 : memref<16384xf32, #tpu.memory_space<hbm>>) target(%arg4 : memref<16384xf32, #tpu.memory_space<vmem>>) target_semaphore(%run_scoped3A_581 : memref<!tpu.dma_semaphore, #tpu.memory_space<semaphore_mem>>)
      %dma_wait3A = arith.constant 0 : i32
      %dma_wait3A_587 = tpu.memref_slice %arg2[%add3A_30, %run_scoped3A, %dma_wait3A] : memref<8x6x16384xf32, #tpu.memory_space<hbm>> -> memref<1x1x16384xf32, #tpu.memory_space<hbm>>
      %dma_wait3A_588 = tpu.memref_squeeze %dma_wait3A_587 : memref<1x1x16384xf32, #tpu.memory_space<hbm>> -> memref<16384xf32, #tpu.memory_space<hbm>>
      %dma_wait3A_589 = arith.constant 0 : i32
      %dma_wait3A_590 = tpu.memref_slice %arg2[%add3A_30, %run_scoped3A, %dma_wait3A_589] : memref<8x6x16384xf32, #tpu.memory_space<hbm>> -> memref<1x1x16384xf32, #tpu.memory_space<hbm>>
      %dma_wait3A_591 = tpu.memref_squeeze %dma_wait3A_590 : memref<1x1x16384xf32, #tpu.memory_space<hbm>> -> memref<16384xf32, #tpu.memory_space<hbm>>
      tpu.wait_dma2 semaphore(%run_scoped3A_581 : memref<!tpu.dma_semaphore, #tpu.memory_space<semaphore_mem>>) src(%dma_wait3A_591 : memref<16384xf32, #tpu.memory_space<hbm>>) dst(%arg4 : memref<16384xf32, #tpu.memory_space<vmem>>)
      tpu.yield
    }) : () -> ()
    %run_scoped3A_33 = arith.constant 1 : i32
    "tpu.region"() ({
      %run_scoped3A_581 = tpu.sem_alloc : memref<!tpu.dma_semaphore, #tpu.memory_space<semaphore_mem>>
      %dma_start3A = arith.constant 0 : i32
      %dma_start3A_582 = tpu.memref_slice %arg2[%add3A_30, %run_scoped3A_33, %dma_start3A] : memref<8x6x16384xf32, #tpu.memory_space<hbm>> -> memref<1x1x16384xf32, #tpu.memory_space<hbm>>
      %dma_start3A_583 = tpu.memref_squeeze %dma_start3A_582 : memref<1x1x16384xf32, #tpu.memory_space<hbm>> -> memref<16384xf32, #tpu.memory_space<hbm>>
      %dma_start3A_584 = arith.constant 0 : i32
      %dma_start3A_585 = tpu.memref_slice %arg2[%add3A_30, %run_scoped3A_33, %dma_start3A_584] : memref<8x6x16384xf32, #tpu.memory_space<hbm>> -> memref<1x1x16384xf32, #tpu.memory_space<hbm>>
      %dma_start3A_586 = tpu.memref_squeeze %dma_start3A_585 : memref<1x1x16384xf32, #tpu.memory_space<hbm>> -> memref<16384xf32, #tpu.memory_space<hbm>>
      tpu.enqueue_dma source(%dma_start3A_586 : memref<16384xf32, #tpu.memory_space<hbm>>) target(%arg5 : memref<16384xf32, #tpu.memory_space<vmem>>) target_semaphore(%run_scoped3A_581 : memref<!tpu.dma_semaphore, #tpu.memory_space<semaphore_mem>>)
      %dma_wait3A = arith.constant 0 : i32
      %dma_wait3A_587 = tpu.memref_slice %arg2[%add3A_30, %run_scoped3A_33, %dma_wait3A] : memref<8x6x16384xf32, #tpu.memory_space<hbm>> -> memref<1x1x16384xf32, #tpu.memory_space<hbm>>
      %dma_wait3A_588 = tpu.memref_squeeze %dma_wait3A_587 : memref<1x1x16384xf32, #tpu.memory_space<hbm>> -> memref<16384xf32, #tpu.memory_space<hbm>>
      %dma_wait3A_589 = arith.constant 0 : i32
      %dma_wait3A_590 = tpu.memref_slice %arg2[%add3A_30, %run_scoped3A_33, %dma_wait3A_589] : memref<8x6x16384xf32, #tpu.memory_space<hbm>> -> memref<1x1x16384xf32, #tpu.memory_space<hbm>>
      %dma_wait3A_591 = tpu.memref_squeeze %dma_wait3A_590 : memref<1x1x16384xf32, #tpu.memory_space<hbm>> -> memref<16384xf32, #tpu.memory_space<hbm>>
      tpu.wait_dma2 semaphore(%run_scoped3A_581 : memref<!tpu.dma_semaphore, #tpu.memory_space<semaphore_mem>>) src(%dma_wait3A_591 : memref<16384xf32, #tpu.memory_space<hbm>>) dst(%arg5 : memref<16384xf32, #tpu.memory_space<vmem>>)
      tpu.yield
    }) : () -> ()
    %run_scoped3A_34 = arith.constant 2 : i32
    "tpu.region"() ({
      %run_scoped3A_581 = tpu.sem_alloc : memref<!tpu.dma_semaphore, #tpu.memory_space<semaphore_mem>>
      %dma_start3A = arith.constant 0 : i32
      %dma_start3A_582 = tpu.memref_slice %arg2[%add3A_30, %run_scoped3A_34, %dma_start3A] : memref<8x6x16384xf32, #tpu.memory_space<hbm>> -> memref<1x1x16384xf32, #tpu.memory_space<hbm>>
      %dma_start3A_583 = tpu.memref_squeeze %dma_start3A_582 : memref<1x1x16384xf32, #tpu.memory_space<hbm>> -> memref<16384xf32, #tpu.memory_space<hbm>>
      %dma_start3A_584 = arith.constant 0 : i32
      %dma_start3A_585 = tpu.memref_slice %arg2[%add3A_30, %run_scoped3A_34, %dma_start3A_584] : memref<8x6x16384xf32, #tpu.memory_space<hbm>> -> memref<1x1x16384xf32, #tpu.memory_space<hbm>>
      %dma_start3A_586 = tpu.memref_squeeze %dma_start3A_585 : memref<1x1x16384xf32, #tpu.memory_space<hbm>> -> memref<16384xf32, #tpu.memory_space<hbm>>
      tpu.enqueue_dma source(%dma_start3A_586 : memref<16384xf32, #tpu.memory_space<hbm>>) target(%arg6 : memref<16384xf32, #tpu.memory_space<vmem>>) target_semaphore(%run_scoped3A_581 : memref<!tpu.dma_semaphore, #tpu.memory_space<semaphore_mem>>)
      %dma_wait3A = arith.constant 0 : i32
      %dma_wait3A_587 = tpu.memref_slice %arg2[%add3A_30, %run_scoped3A_34, %dma_wait3A] : memref<8x6x16384xf32, #tpu.memory_space<hbm>> -> memref<1x1x16384xf32, #tpu.memory_space<hbm>>
      %dma_wait3A_588 = tpu.memref_squeeze %dma_wait3A_587 : memref<1x1x16384xf32, #tpu.memory_space<hbm>> -> memref<16384xf32, #tpu.memory_space<hbm>>
      %dma_wait3A_589 = arith.constant 0 : i32
      %dma_wait3A_590 = tpu.memref_slice %arg2[%add3A_30, %run_scoped3A_34, %dma_wait3A_589] : memref<8x6x16384xf32, #tpu.memory_space<hbm>> -> memref<1x1x16384xf32, #tpu.memory_space<hbm>>
      %dma_wait3A_591 = tpu.memref_squeeze %dma_wait3A_590 : memref<1x1x16384xf32, #tpu.memory_space<hbm>> -> memref<16384xf32, #tpu.memory_space<hbm>>
      tpu.wait_dma2 semaphore(%run_scoped3A_581 : memref<!tpu.dma_semaphore, #tpu.memory_space<semaphore_mem>>) src(%dma_wait3A_591 : memref<16384xf32, #tpu.memory_space<hbm>>) dst(%arg6 : memref<16384xf32, #tpu.memory_space<vmem>>)
      tpu.yield
    }) : () -> ()
    %run_scoped3A_35 = arith.constant 3 : i32
    "tpu.region"() ({
      %run_scoped3A_581 = tpu.sem_alloc : memref<!tpu.dma_semaphore, #tpu.memory_space<semaphore_mem>>
      %dma_start3A = arith.constant 0 : i32
      %dma_start3A_582 = tpu.memref_slice %arg2[%add3A_30, %run_scoped3A_35, %dma_start3A] : memref<8x6x16384xf32, #tpu.memory_space<hbm>> -> memref<1x1x16384xf32, #tpu.memory_space<hbm>>
      %dma_start3A_583 = tpu.memref_squeeze %dma_start3A_582 : memref<1x1x16384xf32, #tpu.memory_space<hbm>> -> memref<16384xf32, #tpu.memory_space<hbm>>
      %dma_start3A_584 = arith.constant 0 : i32
      %dma_start3A_585 = tpu.memref_slice %arg2[%add3A_30, %run_scoped3A_35, %dma_start3A_584] : memref<8x6x16384xf32, #tpu.memory_space<hbm>> -> memref<1x1x16384xf32, #tpu.memory_space<hbm>>
      %dma_start3A_586 = tpu.memref_squeeze %dma_start3A_585 : memref<1x1x16384xf32, #tpu.memory_space<hbm>> -> memref<16384xf32, #tpu.memory_space<hbm>>
      tpu.enqueue_dma source(%dma_start3A_586 : memref<16384xf32, #tpu.memory_space<hbm>>) target(%arg7 : memref<16384xf32, #tpu.memory_space<vmem>>) target_semaphore(%run_scoped3A_581 : memref<!tpu.dma_semaphore, #tpu.memory_space<semaphore_mem>>)
      %dma_wait3A = arith.constant 0 : i32
      %dma_wait3A_587 = tpu.memref_slice %arg2[%add3A_30, %run_scoped3A_35, %dma_wait3A] : memref<8x6x16384xf32, #tpu.memory_space<hbm>> -> memref<1x1x16384xf32, #tpu.memory_space<hbm>>
      %dma_wait3A_588 = tpu.memref_squeeze %dma_wait3A_587 : memref<1x1x16384xf32, #tpu.memory_space<hbm>> -> memref<16384xf32, #tpu.memory_space<hbm>>
      %dma_wait3A_589 = arith.constant 0 : i32
      %dma_wait3A_590 = tpu.memref_slice %arg2[%add3A_30, %run_scoped3A_35, %dma_wait3A_589] : memref<8x6x16384xf32, #tpu.memory_space<hbm>> -> memref<1x1x16384xf32, #tpu.memory_space<hbm>>
      %dma_wait3A_591 = tpu.memref_squeeze %dma_wait3A_590 : memref<1x1x16384xf32, #tpu.memory_space<hbm>> -> memref<16384xf32, #tpu.memory_space<hbm>>
      tpu.wait_dma2 semaphore(%run_scoped3A_581 : memref<!tpu.dma_semaphore, #tpu.memory_space<semaphore_mem>>) src(%dma_wait3A_591 : memref<16384xf32, #tpu.memory_space<hbm>>) dst(%arg7 : memref<16384xf32, #tpu.memory_space<vmem>>)
      tpu.yield
    }) : () -> ()
    %run_scoped3A_36 = arith.constant 4 : i32
    "tpu.region"() ({
      %run_scoped3A_581 = tpu.sem_alloc : memref<!tpu.dma_semaphore, #tpu.memory_space<semaphore_mem>>
      %dma_start3A = arith.constant 0 : i32
      %dma_start3A_582 = tpu.memref_slice %arg2[%add3A_30, %run_scoped3A_36, %dma_start3A] : memref<8x6x16384xf32, #tpu.memory_space<hbm>> -> memref<1x1x16384xf32, #tpu.memory_space<hbm>>
      %dma_start3A_583 = tpu.memref_squeeze %dma_start3A_582 : memref<1x1x16384xf32, #tpu.memory_space<hbm>> -> memref<16384xf32, #tpu.memory_space<hbm>>
      %dma_start3A_584 = arith.constant 0 : i32
      %dma_start3A_585 = tpu.memref_slice %arg2[%add3A_30, %run_scoped3A_36, %dma_start3A_584] : memref<8x6x16384xf32, #tpu.memory_space<hbm>> -> memref<1x1x16384xf32, #tpu.memory_space<hbm>>
      %dma_start3A_586 = tpu.memref_squeeze %dma_start3A_585 : memref<1x1x16384xf32, #tpu.memory_space<hbm>> -> memref<16384xf32, #tpu.memory_space<hbm>>
      tpu.enqueue_dma source(%dma_start3A_586 : memref<16384xf32, #tpu.memory_space<hbm>>) target(%arg8 : memref<16384xf32, #tpu.memory_space<vmem>>) target_semaphore(%run_scoped3A_581 : memref<!tpu.dma_semaphore, #tpu.memory_space<semaphore_mem>>)
      %dma_wait3A = arith.constant 0 : i32
      %dma_wait3A_587 = tpu.memref_slice %arg2[%add3A_30, %run_scoped3A_36, %dma_wait3A] : memref<8x6x16384xf32, #tpu.memory_space<hbm>> -> memref<1x1x16384xf32, #tpu.memory_space<hbm>>
      %dma_wait3A_588 = tpu.memref_squeeze %dma_wait3A_587 : memref<1x1x16384xf32, #tpu.memory_space<hbm>> -> memref<16384xf32, #tpu.memory_space<hbm>>
      %dma_wait3A_589 = arith.constant 0 : i32
      %dma_wait3A_590 = tpu.memref_slice %arg2[%add3A_30, %run_scoped3A_36, %dma_wait3A_589] : memref<8x6x16384xf32, #tpu.memory_space<hbm>> -> memref<1x1x16384xf32, #tpu.memory_space<hbm>>
      %dma_wait3A_591 = tpu.memref_squeeze %dma_wait3A_590 : memref<1x1x16384xf32, #tpu.memory_space<hbm>> -> memref<16384xf32, #tpu.memory_space<hbm>>
      tpu.wait_dma2 semaphore(%run_scoped3A_581 : memref<!tpu.dma_semaphore, #tpu.memory_space<semaphore_mem>>) src(%dma_wait3A_591 : memref<16384xf32, #tpu.memory_space<hbm>>) dst(%arg8 : memref<16384xf32, #tpu.memory_space<vmem>>)
      tpu.yield
    }) : () -> ()
    %run_scoped3A_37 = arith.constant 5 : i32
    "tpu.region"() ({
      %run_scoped3A_581 = tpu.sem_alloc : memref<!tpu.dma_semaphore, #tpu.memory_space<semaphore_mem>>
      %dma_start3A = arith.constant 0 : i32
      %dma_start3A_582 = tpu.memref_slice %arg2[%add3A_30, %run_scoped3A_37, %dma_start3A] : memref<8x6x16384xf32, #tpu.memory_space<hbm>> -> memref<1x1x16384xf32, #tpu.memory_space<hbm>>
      %dma_start3A_583 = tpu.memref_squeeze %dma_start3A_582 : memref<1x1x16384xf32, #tpu.memory_space<hbm>> -> memref<16384xf32, #tpu.memory_space<hbm>>
      %dma_start3A_584 = arith.constant 0 : i32
      %dma_start3A_585 = tpu.memref_slice %arg2[%add3A_30, %run_scoped3A_37, %dma_start3A_584] : memref<8x6x16384xf32, #tpu.memory_space<hbm>> -> memref<1x1x16384xf32, #tpu.memory_space<hbm>>
      %dma_start3A_586 = tpu.memref_squeeze %dma_start3A_585 : memref<1x1x16384xf32, #tpu.memory_space<hbm>> -> memref<16384xf32, #tpu.memory_space<hbm>>
      tpu.enqueue_dma source(%dma_start3A_586 : memref<16384xf32, #tpu.memory_space<hbm>>) target(%arg9 : memref<16384xf32, #tpu.memory_space<vmem>>) target_semaphore(%run_scoped3A_581 : memref<!tpu.dma_semaphore, #tpu.memory_space<semaphore_mem>>)
      %dma_wait3A = arith.constant 0 : i32
      %dma_wait3A_587 = tpu.memref_slice %arg2[%add3A_30, %run_scoped3A_37, %dma_wait3A] : memref<8x6x16384xf32, #tpu.memory_space<hbm>> -> memref<1x1x16384xf32, #tpu.memory_space<hbm>>
      %dma_wait3A_588 = tpu.memref_squeeze %dma_wait3A_587 : memref<1x1x16384xf32, #tpu.memory_space<hbm>> -> memref<16384xf32, #tpu.memory_space<hbm>>
      %dma_wait3A_589 = arith.constant 0 : i32
      %dma_wait3A_590 = tpu.memref_slice %arg2[%add3A_30, %run_scoped3A_37, %dma_wait3A_589] : memref<8x6x16384xf32, #tpu.memory_space<hbm>> -> memref<1x1x16384xf32, #tpu.memory_space<hbm>>
      %dma_wait3A_591 = tpu.memref_squeeze %dma_wait3A_590 : memref<1x1x16384xf32, #tpu.memory_space<hbm>> -> memref<16384xf32, #tpu.memory_space<hbm>>
      tpu.wait_dma2 semaphore(%run_scoped3A_581 : memref<!tpu.dma_semaphore, #tpu.memory_space<semaphore_mem>>) src(%dma_wait3A_591 : memref<16384xf32, #tpu.memory_space<hbm>>) dst(%arg9 : memref<16384xf32, #tpu.memory_space<vmem>>)
      tpu.yield
    }) : () -> ()
    %broadcast_in_dim3A = arith.constant 0x7F800000 : f32
    %broadcast_in_dim3A_38 = vector.broadcast %broadcast_in_dim3A : f32 to vector<16xf32>
    %parallel_loop3A = arith.constant 0 : i32
    %parallel_loop3A_39 = arith.constant 4096 : i32
    %parallel_loop3A_40 = arith.constant 16 : i32
    scf.for %parallel_loop3A_581 = %parallel_loop3A to %parallel_loop3A_39 step %parallel_loop3A_40  : i32 {
      %parallel_loop3A_582 = arith.index_cast %parallel_loop3A_581 : i32 to index
      %parallel_loop3A_583 = tpu.vector_load %arg10[%parallel_loop3A_582] {strides = array<i32>} : memref<4096xf32, #tpu.memory_space<vmem>>, vector<16xf32>,
      tpu.vector_store %arg10[%parallel_loop3A_582], %broadcast_in_dim3A_38 {strides = array<i32>} : memref<4096xf32, #tpu.memory_space<vmem>>, vector<16xf32>,
    } {sc.loop_unroll_factor = 8 : i64, sc.parallel_access}
    %iota3A = tpu.iota {dimensions = array<i32: 0>} : vector<16xi32>
    %broadcast_in_dim3A_41 = arith.constant 0 : i32
    %broadcast_in_dim3A_42 = vector.broadcast %broadcast_in_dim3A_41 : i32 to vector<16xi32>
    %scan3A = arith.constant 0 : i32
    %scan3A_43 = arith.constant 1024 : i32
    %scan3A_44 = arith.addi %scan3A, %scan3A_43 : i32
    %scan3A_45 = arith.constant 1 : i32
    %scan3A_46 = scf.for %scan3A_581 = %scan3A to %scan3A_44 step %scan3A_45 iter_args(%scan3A_582 = %broadcast_in_dim3A_42) -> (vector<16xi32>)  : i32 {
      %gather3A_583 = tpu.vector_load_idx %arg4[%scan3A_582] : memref<16384xf32, #tpu.memory_space<vmem>>[vector<16xi32>], vector<16xf32>,
      %gather3A_584 = tpu.vector_load_idx %arg5[%scan3A_582] : memref<16384xf32, #tpu.memory_space<vmem>>[vector<16xi32>], vector<16xf32>,
      %gather3A_585 = tpu.vector_load_idx %arg6[%scan3A_582] : memref<16384xf32, #tpu.memory_space<vmem>>[vector<16xi32>], vector<16xf32>,
      %jit3A_586 = arith.constant 256 : i32
      %div3A_587 = arith.divsi %scan3A_581, %jit3A_586 : i32
      %sign3A_588 = arith.constant 0 : i32
      %sign3A_589 = arith.cmpi sgt, %scan3A_581, %sign3A_588 : i32
      %sign3A_590 = arith.extui %sign3A_589 : i1 to i32
      %sign3A_591 = arith.constant 0 : i32
      %sign3A_592 = arith.cmpi slt, %scan3A_581, %sign3A_591 : i32
      %sign3A_593 = arith.extui %sign3A_592 : i1 to i32
      %sign3A_594 = arith.subi %sign3A_590, %sign3A_593 : i32
      %sign3A_595 = arith.constant 0 : i32
      %sign3A_596 = arith.cmpi sgt, %jit3A_586, %sign3A_595 : i32
      %sign3A_597 = arith.extui %sign3A_596 : i1 to i32
      %sign3A_598 = arith.constant 0 : i32
      %sign3A_599 = arith.cmpi slt, %jit3A_586, %sign3A_598 : i32
      %sign3A_600 = arith.extui %sign3A_599 : i1 to i32
      %sign3A_601 = arith.subi %sign3A_597, %sign3A_600 : i32
      %ne3A_602 = arith.cmpi ne, %sign3A_594, %sign3A_601 : i32
      %rem3A_603 = arith.remsi %scan3A_581, %jit3A_586 : i32
      %ne3A_604 = arith.constant 0 : i32
      %ne3A_605 = arith.cmpi ne, %rem3A_603, %ne3A_604 : i32
      %and3A_606 = arith.andi %ne3A_602, %ne3A_605 : i1
      %sub3A_607 = arith.constant 1 : i32
      %sub3A_608 = arith.subi %div3A_587, %sub3A_607 : i32
      %select_n3A_609 = arith.select %and3A_606, %sub3A_608, %div3A_587 : i32
      %eq3A_610 = arith.cmpi eq, %select_n3A_609, %select_n3A_28 : i32
      %convert_element_type3A = arith.extui %eq3A_610 : i1 to i32
      %cond3A = arith.constant 0 : i32
      %cond3A_611 = arith.cmpi ne, %convert_element_type3A, %cond3A : i32
      scf.if %cond3A_611 {
        %jit3A_699 = arith.constant 256 : i32
        %eq3A_700 = arith.constant 0 : i32
        %eq3A_701 = arith.cmpi eq, %jit3A_699, %eq3A_700 : i32
        %jit3A_702 = arith.constant 1 : i32
        %select_n3A_703 = arith.select %eq3A_701, %jit3A_702, %jit3A_699 : i32
        %rem3A_704 = arith.remsi %scan3A_581, %select_n3A_703 : i32
        %ne3A_705 = arith.constant 0 : i32
        %ne3A_706 = arith.cmpi ne, %rem3A_704, %ne3A_705 : i32
        %lt3A_707 = arith.constant 0 : i32
        %lt3A_708 = arith.cmpi slt, %rem3A_704, %lt3A_707 : i32
        %lt3A_709 = arith.constant 0 : i32
        %lt3A_710 = arith.cmpi slt, %select_n3A_703, %lt3A_709 : i32
        %ne3A_711 = arith.xori %lt3A_708, %lt3A_710 : i1
        %and3A_712 = arith.andi %ne3A_711, %ne3A_706 : i1
        %add3A_713 = arith.addi %rem3A_704, %select_n3A_703 : i32
        %select_n3A_714 = arith.select %and3A_712, %add3A_713, %rem3A_704 : i32
        %broadcast_in_dim3A_715 = vector.broadcast %select_n3A_714 : i32 to vector<16xi32>
        %eq3A_716 = arith.constant 0 : i32
        %eq3A_717 = vector.broadcast %eq3A_716 : i32 to vector<16xi32>
        %eq3A_718 = arith.cmpi eq, %iota3A, %eq3A_717 : vector<16xi32>
        tpu.vector_store_idx %arg11[%broadcast_in_dim3A_715], %scan3A_582 masked %eq3A_718 : memref<256xi32, #tpu.memory_space<vmem>>[vector<16xi32>], vector<16xi32>, vector<16xi1>
      } else {
      }
      %broadcast_in_dim3A_612 = arith.constant -1.000000e+00 : f32
      %broadcast_in_dim3A_613 = vector.broadcast %broadcast_in_dim3A_612 : f32 to vector<16xf32>
      %broadcast_in_dim3A_614 = arith.constant 0 : i32
      %broadcast_in_dim3A_615 = vector.broadcast %broadcast_in_dim3A_614 : i32 to vector<16xi32>
      %parallel_loop3A_616 = arith.constant 0 : i32
      %parallel_loop3A_617 = arith.constant 4096 : i32
      %parallel_loop3A_618 = arith.constant 16 : i32
      %parallel_loop3A_619:2 = scf.for %parallel_loop3A_699 = %parallel_loop3A_616 to %parallel_loop3A_617 step %parallel_loop3A_618 iter_args(%parallel_loop3A_700 = %broadcast_in_dim3A_613, %parallel_loop3A_701 = %broadcast_in_dim3A_615) -> (vector<16xf32>, vector<16xi32>)  : i32 {
        %parallel_loop3A_702 = arith.addi %mul3A_32, %parallel_loop3A_699 : i32
        %parallel_loop3A_703 = arith.index_cast %parallel_loop3A_702 : i32 to index
        %parallel_loop3A_704 = tpu.vector_load %arg4[%parallel_loop3A_703] {strides = array<i32>} : memref<16384xf32, #tpu.memory_space<vmem>>, vector<16xf32>,
        %parallel_loop3A_705 = arith.addi %mul3A_32, %parallel_loop3A_699 : i32
        %parallel_loop3A_706 = arith.index_cast %parallel_loop3A_705 : i32 to index
        %parallel_loop3A_707 = tpu.vector_load %arg5[%parallel_loop3A_706] {strides = array<i32>} : memref<16384xf32, #tpu.memory_space<vmem>>, vector<16xf32>,
        %parallel_loop3A_708 = arith.addi %mul3A_32, %parallel_loop3A_699 : i32
        %parallel_loop3A_709 = arith.index_cast %parallel_loop3A_708 : i32 to index
        %parallel_loop3A_710 = tpu.vector_load %arg6[%parallel_loop3A_709] {strides = array<i32>} : memref<16384xf32, #tpu.memory_space<vmem>>, vector<16xf32>,
        %parallel_loop3A_711 = arith.subf %parallel_loop3A_704, %gather3A_583 : vector<16xf32>
        %parallel_loop3A_712 = arith.subf %parallel_loop3A_707, %gather3A_584 : vector<16xf32>
        %parallel_loop3A_713 = arith.subf %parallel_loop3A_710, %gather3A_585 : vector<16xf32>
        %parallel_loop3A_714 = arith.mulf %parallel_loop3A_711, %parallel_loop3A_711 : vector<16xf32>
        %parallel_loop3A_715 = arith.mulf %parallel_loop3A_713, %parallel_loop3A_713 : vector<16xf32>
        %parallel_loop3A_716 = arith.addf %parallel_loop3A_714, %parallel_loop3A_715 : vector<16xf32>
        %parallel_loop3A_717 = arith.mulf %parallel_loop3A_712, %parallel_loop3A_712 : vector<16xf32>
        %parallel_loop3A_718 = arith.addf %parallel_loop3A_716, %parallel_loop3A_717 : vector<16xf32>
        %parallel_loop3A_719 = arith.index_cast %parallel_loop3A_699 : i32 to index
        %parallel_loop3A_720 = tpu.vector_load %arg10[%parallel_loop3A_719] {strides = array<i32>} : memref<4096xf32, #tpu.memory_space<vmem>>, vector<16xf32>,
        %parallel_loop3A_721 = arith.minimumf %parallel_loop3A_720, %parallel_loop3A_718 : vector<16xf32>
        %parallel_loop3A_722 = arith.index_cast %parallel_loop3A_699 : i32 to index
        %parallel_loop3A_723 = tpu.vector_load %arg10[%parallel_loop3A_722] {strides = array<i32>} : memref<4096xf32, #tpu.memory_space<vmem>>, vector<16xf32>,
        tpu.vector_store %arg10[%parallel_loop3A_722], %parallel_loop3A_721 {strides = array<i32>} : memref<4096xf32, #tpu.memory_space<vmem>>, vector<16xf32>,
        %parallel_loop3A_724 = arith.cmpf ogt, %parallel_loop3A_721, %parallel_loop3A_700 : vector<16xf32>
        %parallel_loop3A_725 = arith.maximumf %parallel_loop3A_700, %parallel_loop3A_721 : vector<16xf32>
        %parallel_loop3A_726 = arith.addi %mul3A_32, %parallel_loop3A_699 : i32
        %parallel_loop3A_727 = vector.broadcast %parallel_loop3A_726 : i32 to vector<16xi32>
        %parallel_loop3A_728 = arith.select %parallel_loop3A_724, %parallel_loop3A_727, %parallel_loop3A_701 : vector<16xi1>, vector<16xi32>
        scf.yield %parallel_loop3A_725, %parallel_loop3A_728 : vector<16xf32>, vector<16xi32>
      } {sc.loop_unroll_factor = 8 : i64, sc.parallel_access}
      %add3A_620 = arith.addi %parallel_loop3A_619#1, %iota3A : vector<16xi32>
      %reduce_max3A = arith.constant true
      %reduce_max3A_621 = vector.broadcast %reduce_max3A : i1 to vector<16xi1>
      %reduce_max3A_622 = tpu.scan <max>, %parallel_loop3A_619#0 masked %reduce_max3A_621 : vector<16xf32>, vector<16xi1> -> vector<16xf32>
      %reduce_max3A_623 = vector.extract %reduce_max3A_622[15] : f32 from vector<16xf32>
      %eq3A_624 = vector.broadcast %reduce_max3A_623 : f32 to vector<16xf32>
      %eq3A_625 = arith.cmpf oeq, %parallel_loop3A_619#0, %eq3A_624 : vector<16xf32>
      %broadcast_in_dim3A_626 = arith.constant 2147483647 : i32
      %broadcast_in_dim3A_627 = vector.broadcast %broadcast_in_dim3A_626 : i32 to vector<16xi32>
      %select_n3A_628 = arith.select %eq3A_625, %add3A_620, %broadcast_in_dim3A_627 : vector<16xi1>, vector<16xi32>
      %reduce_min3A = arith.constant true
      %reduce_min3A_629 = vector.broadcast %reduce_min3A : i1 to vector<16xi1>
      %reduce_min3A_630 = arith.constant -2147483648 : i32
      %reduce_min3A_631 = vector.broadcast %reduce_min3A_630 : i32 to vector<16xi32>
      %reduce_min3A_632 = arith.xori %select_n3A_628, %reduce_min3A_631 : vector<16xi32>
      %reduce_min3A_633 = tpu.scan <min>, %reduce_min3A_632 masked %reduce_min3A_629 : vector<16xi32>, vector<16xi1> -> vector<16xi32>
      %reduce_min3A_634 = arith.xori %reduce_min3A_633, %reduce_min3A_631 : vector<16xi32>
      %reduce_min3A_635 = vector.extract %reduce_min3A_634[15] : i32 from vector<16xi32>
      %broadcast_in_dim3A_636 = vector.broadcast %reduce_min3A_635 : i32 to vector<16xi32>
      %and3A_637 = arith.constant 1 : i32
      %and3A_638 = arith.andi %scan3A_581, %and3A_637 : i32
      %broadcast_in_dim3A_639 = vector.broadcast %reduce_max3A_623 : f32 to vector<16xf32>
      %swap3A_640 = arith.constant 0 : index
      %swap3A_641 = tpu.vector_load %arg13[%swap3A_640] {strides = array<i32>} : memref<32xf32, #tpu.memory_space<vmem>>, vector<16xf32>,
      tpu.vector_store %arg13[%swap3A_640], %broadcast_in_dim3A_639 {strides = array<i32>} : memref<32xf32, #tpu.memory_space<vmem>>, vector<16xf32>,
      %bitcast3A = vector.bitcast %broadcast_in_dim3A_636 : vector<16xi32> to vector<16xf32>
      %swap3A_642 = arith.constant 16 : index
      %swap3A_643 = tpu.vector_load %arg13[%swap3A_642] {strides = array<i32>} : memref<32xf32, #tpu.memory_space<vmem>>, vector<16xf32>,
      tpu.vector_store %arg13[%swap3A_642], %bitcast3A {strides = array<i32>} : memref<32xf32, #tpu.memory_space<vmem>>, vector<16xf32>,
      %mul3A_644 = arith.constant 16 : i32
      %mul3A_645 = arith.muli %and3A_638, %mul3A_644 : i32
      %add3A_646 = arith.addi %mul3A_645, %arg1 : i32
      %mul3A_647 = arith.constant 32 : i32
      %mul3A_648 = arith.muli %add3A_646, %mul3A_647 : i32
      "tpu.region"() ({
        %run_scoped3A_699 = tpu.sem_alloc : memref<!tpu.dma_semaphore, #tpu.memory_space<semaphore_mem>>
        %dma_start3A = tpu.memref_slice %arg15[%mul3A_648] : memref<1024xf32, #tpu.memory_space<vmem_shared>> -> memref<32xf32, #tpu.memory_space<vmem_shared>>
        %dma_start3A_700 = tpu.memref_slice %arg15[%mul3A_648] : memref<1024xf32, #tpu.memory_space<vmem_shared>> -> memref<32xf32, #tpu.memory_space<vmem_shared>>
        tpu.enqueue_dma source(%arg13 : memref<32xf32, #tpu.memory_space<vmem>>) target(%dma_start3A_700 : memref<32xf32, #tpu.memory_space<vmem_shared>>) target_semaphore(%run_scoped3A_699 : memref<!tpu.dma_semaphore, #tpu.memory_space<semaphore_mem>>)
        %dma_wait3A = tpu.memref_slice %arg15[%mul3A_648] : memref<1024xf32, #tpu.memory_space<vmem_shared>> -> memref<32xf32, #tpu.memory_space<vmem_shared>>
        %dma_wait3A_701 = tpu.memref_slice %arg15[%mul3A_648] : memref<1024xf32, #tpu.memory_space<vmem_shared>> -> memref<32xf32, #tpu.memory_space<vmem_shared>>
        tpu.wait_dma2 semaphore(%run_scoped3A_699 : memref<!tpu.dma_semaphore, #tpu.memory_space<semaphore_mem>>) src(%arg13 : memref<32xf32, #tpu.memory_space<vmem>>) dst(%dma_wait3A_701 : memref<32xf32, #tpu.memory_space<vmem_shared>>)
        tpu.yield
      }) : () -> ()
      %barrier3A = arith.constant 0 : index
      tpu.barrier barrier_id(%barrier3A)
      %mul3A_649 = arith.constant 16 : i32
      %mul3A_650 = arith.muli %and3A_638, %mul3A_649 : i32
      %mul3A_651 = arith.constant 4 : i32
      %mul3A_652 = arith.muli %select_n3A, %mul3A_651 : i32
      %add3A_653 = arith.addi %mul3A_650, %mul3A_652 : i32
      %mul3A_654 = arith.constant 32 : i32
      %mul3A_655 = arith.muli %add3A_653, %mul3A_654 : i32
      "tpu.region"() ({
        %run_scoped3A_699 = tpu.sem_alloc : memref<!tpu.dma_semaphore, #tpu.memory_space<semaphore_mem>>
        %dma_start3A = tpu.memref_slice %arg15[%mul3A_655] : memref<1024xf32, #tpu.memory_space<vmem_shared>> -> memref<128xf32, #tpu.memory_space<vmem_shared>>
        %dma_start3A_700 = tpu.memref_slice %arg15[%mul3A_655] : memref<1024xf32, #tpu.memory_space<vmem_shared>> -> memref<128xf32, #tpu.memory_space<vmem_shared>>
        tpu.enqueue_dma source(%dma_start3A_700 : memref<128xf32, #tpu.memory_space<vmem_shared>>) target(%arg14 : memref<128xf32, #tpu.memory_space<vmem>>) target_semaphore(%run_scoped3A_699 : memref<!tpu.dma_semaphore, #tpu.memory_space<semaphore_mem>>)
        %dma_wait3A = tpu.memref_slice %arg15[%mul3A_655] : memref<1024xf32, #tpu.memory_space<vmem_shared>> -> memref<128xf32, #tpu.memory_space<vmem_shared>>
        %dma_wait3A_701 = tpu.memref_slice %arg15[%mul3A_655] : memref<1024xf32, #tpu.memory_space<vmem_shared>> -> memref<128xf32, #tpu.memory_space<vmem_shared>>
        tpu.wait_dma2 semaphore(%run_scoped3A_699 : memref<!tpu.dma_semaphore, #tpu.memory_space<semaphore_mem>>) src(%dma_wait3A_701 : memref<128xf32, #tpu.memory_space<vmem_shared>>) dst(%arg14 : memref<128xf32, #tpu.memory_space<vmem>>)
        tpu.yield
      }) : () -> ()
      %get3A_656 = arith.constant 0 : index
      %get3A_657 = tpu.vector_load %arg14[%get3A_656] {strides = array<i32>} : memref<128xf32, #tpu.memory_space<vmem>>, vector<16xf32>,
      %get3A_658 = arith.constant 16 : index
      %get3A_659 = tpu.vector_load %arg14[%get3A_658] {strides = array<i32>} : memref<128xf32, #tpu.memory_space<vmem>>, vector<16xf32>,
      %bitcast3A_660 = vector.bitcast %get3A_659 : vector<16xf32> to vector<16xi32>
      %get3A_661 = arith.constant 32 : index
      %get3A_662 = tpu.vector_load %arg14[%get3A_661] {strides = array<i32>} : memref<128xf32, #tpu.memory_space<vmem>>, vector<16xf32>,
      %get3A_663 = arith.constant 48 : index
      %get3A_664 = tpu.vector_load %arg14[%get3A_663] {strides = array<i32>} : memref<128xf32, #tpu.memory_space<vmem>>, vector<16xf32>,
      %bitcast3A_665 = vector.bitcast %get3A_664 : vector<16xf32> to vector<16xi32>
      %gt3A = arith.cmpf ogt, %get3A_662, %get3A_657 : vector<16xf32>
      %eq3A_666 = arith.cmpf oeq, %get3A_662, %get3A_657 : vector<16xf32>
      %lt3A_667 = arith.cmpi slt, %bitcast3A_665, %bitcast3A_660 : vector<16xi32>
      %and3A_668 = arith.andi %eq3A_666, %lt3A_667 : vector<16xi1>
      %or3A = arith.ori %gt3A, %and3A_668 : vector<16xi1>
      %select_n3A_669 = arith.select %or3A, %get3A_662, %get3A_657 : vector<16xi1>, vector<16xf32>
      %select_n3A_670 = arith.select %or3A, %bitcast3A_665, %bitcast3A_660 : vector<16xi1>, vector<16xi32>
      %get3A_671 = arith.constant 64 : index
      %get3A_672 = tpu.vector_load %arg14[%get3A_671] {strides = array<i32>} : memref<128xf32, #tpu.memory_space<vmem>>, vector<16xf32>,
      %get3A_673 = arith.constant 80 : index
      %get3A_674 = tpu.vector_load %arg14[%get3A_673] {strides = array<i32>} : memref<128xf32, #tpu.memory_space<vmem>>, vector<16xf32>,
      %bitcast3A_675 = vector.bitcast %get3A_674 : vector<16xf32> to vector<16xi32>
      %gt3A_676 = arith.cmpf ogt, %get3A_672, %select_n3A_669 : vector<16xf32>
      %eq3A_677 = arith.cmpf oeq, %get3A_672, %select_n3A_669 : vector<16xf32>
      %lt3A_678 = arith.cmpi slt, %bitcast3A_675, %select_n3A_670 : vector<16xi32>
      %and3A_679 = arith.andi %eq3A_677, %lt3A_678 : vector<16xi1>
      %or3A_680 = arith.ori %gt3A_676, %and3A_679 : vector<16xi1>
      %select_n3A_681 = arith.select %or3A_680, %get3A_672, %select_n3A_669 : vector<16xi1>, vector<16xf32>
      %select_n3A_682 = arith.select %or3A_680, %bitcast3A_675, %select_n3A_670 : vector<16xi1>, vector<16xi32>
      %get3A_683 = arith.constant 96 : index
      %get3A_684 = tpu.vector_load %arg14[%get3A_683] {strides = array<i32>} : memref<128xf32, #tpu.memory_space<vmem>>, vector<16xf32>,
      %get3A_685 = arith.constant 112 : index
      %get3A_686 = tpu.vector_load %arg14[%get3A_685] {strides = array<i32>} : memref<128xf32, #tpu.memory_space<vmem>>, vector<16xf32>,
      %bitcast3A_687 = vector.bitcast %get3A_686 : vector<16xf32> to vector<16xi32>
      %gt3A_688 = arith.cmpf ogt, %get3A_684, %select_n3A_681 : vector<16xf32>
      %eq3A_689 = arith.cmpf oeq, %get3A_684, %select_n3A_681 : vector<16xf32>
      %lt3A_690 = arith.cmpi slt, %bitcast3A_687, %select_n3A_682 : vector<16xi32>
      %and3A_691 = arith.andi %eq3A_689, %lt3A_690 : vector<16xi1>
      %or3A_692 = arith.ori %gt3A_688, %and3A_691 : vector<16xi1>
      %select_n3A_693 = arith.select %or3A_692, %get3A_684, %select_n3A_681 : vector<16xi1>, vector<16xf32>
      %select_n3A_694 = arith.select %or3A_692, %bitcast3A_687, %select_n3A_682 : vector<16xi1>, vector<16xi32>
      %broadcast_in_dim3A_695 = arith.constant 0 : i32
      %broadcast_in_dim3A_696 = vector.broadcast %broadcast_in_dim3A_695 : i32 to vector<16xi32>
      %max3A = arith.maxsi %select_n3A_694, %broadcast_in_dim3A_696 : vector<16xi32>
      %broadcast_in_dim3A_697 = arith.constant 16383 : i32
      %broadcast_in_dim3A_698 = vector.broadcast %broadcast_in_dim3A_697 : i32 to vector<16xi32>
      %min3A = arith.minsi %max3A, %broadcast_in_dim3A_698 : vector<16xi32>
      scf.yield %min3A : vector<16xi32>
    }
    %scan3A_47 = arith.constant 1024 : i32
    %get3A = arith.constant 0 : index
    %get3A_48 = tpu.vector_load %arg11[%get3A] {strides = array<i32>} : memref<256xi32, #tpu.memory_space<vmem>>, vector<16xi32>,
    %gather3A = tpu.vector_load_idx %arg4[%get3A_48] : memref<16384xf32, #tpu.memory_space<vmem>>[vector<16xi32>], vector<16xf32>,
    %swap3A = arith.constant 0 : i32
    %swap3A_49 = arith.index_cast %swap3A : i32 to index
    %swap3A_50 = arith.constant 0 : index
    %swap3A_51 = tpu.vector_load %arg12[%swap3A_49, %swap3A_50] {strides = array<i32>} : memref<6x256xf32, #tpu.memory_space<vmem>>, vector<16xf32>,
    tpu.vector_store %arg12[%swap3A_49, %swap3A_50], %gather3A {strides = array<i32>} : memref<6x256xf32, #tpu.memory_space<vmem>>, vector<16xf32>,
    %gather3A_52 = tpu.vector_load_idx %arg5[%get3A_48] : memref<16384xf32, #tpu.memory_space<vmem>>[vector<16xi32>], vector<16xf32>,
    %swap3A_53 = arith.constant 1 : i32
    %swap3A_54 = arith.index_cast %swap3A_53 : i32 to index
    %swap3A_55 = arith.constant 0 : index
    %swap3A_56 = tpu.vector_load %arg12[%swap3A_54, %swap3A_55] {strides = array<i32>} : memref<6x256xf32, #tpu.memory_space<vmem>>, vector<16xf32>,
    tpu.vector_store %arg12[%swap3A_54, %swap3A_55], %gather3A_52 {strides = array<i32>} : memref<6x256xf32, #tpu.memory_space<vmem>>, vector<16xf32>,
    %gather3A_57 = tpu.vector_load_idx %arg6[%get3A_48] : memref<16384xf32, #tpu.memory_space<vmem>>[vector<16xi32>], vector<16xf32>,
    %swap3A_58 = arith.constant 2 : i32
    %swap3A_59 = arith.index_cast %swap3A_58 : i32 to index
    %swap3A_60 = arith.constant 0 : index
    %swap3A_61 = tpu.vector_load %arg12[%swap3A_59, %swap3A_60] {strides = array<i32>} : memref<6x256xf32, #tpu.memory_space<vmem>>, vector<16xf32>,
    tpu.vector_store %arg12[%swap3A_59, %swap3A_60], %gather3A_57 {strides = array<i32>} : memref<6x256xf32, #tpu.memory_space<vmem>>, vector<16xf32>,
    %gather3A_62 = tpu.vector_load_idx %arg7[%get3A_48] : memref<16384xf32, #tpu.memory_space<vmem>>[vector<16xi32>], vector<16xf32>,
    %swap3A_63 = arith.constant 3 : i32
    %swap3A_64 = arith.index_cast %swap3A_63 : i32 to index
    %swap3A_65 = arith.constant 0 : index
    %swap3A_66 = tpu.vector_load %arg12[%swap3A_64, %swap3A_65] {strides = array<i32>} : memref<6x256xf32, #tpu.memory_space<vmem>>, vector<16xf32>,
    tpu.vector_store %arg12[%swap3A_64, %swap3A_65], %gather3A_62 {strides = array<i32>} : memref<6x256xf32, #tpu.memory_space<vmem>>, vector<16xf32>,
    %gather3A_67 = tpu.vector_load_idx %arg8[%get3A_48] : memref<16384xf32, #tpu.memory_space<vmem>>[vector<16xi32>], vector<16xf32>,
    %swap3A_68 = arith.constant 4 : i32
    %swap3A_69 = arith.index_cast %swap3A_68 : i32 to index
    %swap3A_70 = arith.constant 0 : index
    %swap3A_71 = tpu.vector_load %arg12[%swap3A_69, %swap3A_70] {strides = array<i32>} : memref<6x256xf32, #tpu.memory_space<vmem>>, vector<16xf32>,
    tpu.vector_store %arg12[%swap3A_69, %swap3A_70], %gather3A_67 {strides = array<i32>} : memref<6x256xf32, #tpu.memory_space<vmem>>, vector<16xf32>,
    %gather3A_72 = tpu.vector_load_idx %arg9[%get3A_48] : memref<16384xf32, #tpu.memory_space<vmem>>[vector<16xi32>], vector<16xf32>,
    %swap3A_73 = arith.constant 5 : i32
    %swap3A_74 = arith.index_cast %swap3A_73 : i32 to index
    %swap3A_75 = arith.constant 0 : index
    %swap3A_76 = tpu.vector_load %arg12[%swap3A_74, %swap3A_75] {strides = array<i32>} : memref<6x256xf32, #tpu.memory_space<vmem>>, vector<16xf32>,
    tpu.vector_store %arg12[%swap3A_74, %swap3A_75], %gather3A_72 {strides = array<i32>} : memref<6x256xf32, #tpu.memory_space<vmem>>, vector<16xf32>,
    %get3A_77 = arith.constant 16 : index
    %get3A_78 = tpu.vector_load %arg11[%get3A_77] {strides = array<i32>} : memref<256xi32, #tpu.memory_space<vmem>>, vector<16xi32>,
    %gather3A_79 = tpu.vector_load_idx %arg4[%get3A_78] : memref<16384xf32, #tpu.memory_space<vmem>>[vector<16xi32>], vector<16xf32>,
    %swap3A_80 = arith.constant 0 : i32
    %swap3A_81 = arith.index_cast %swap3A_80 : i32 to index
    %swap3A_82 = arith.constant 16 : index
    %swap3A_83 = tpu.vector_load %arg12[%swap3A_81, %swap3A_82] {strides = array<i32>} : memref<6x256xf32, #tpu.memory_space<vmem>>, vector<16xf32>,
    tpu.vector_store %arg12[%swap3A_81, %swap3A_82], %gather3A_79 {strides = array<i32>} : memref<6x256xf32, #tpu.memory_space<vmem>>, vector<16xf32>,
    %gather3A_84 = tpu.vector_load_idx %arg5[%get3A_78] : memref<16384xf32, #tpu.memory_space<vmem>>[vector<16xi32>], vector<16xf32>,
    %swap3A_85 = arith.constant 1 : i32
    %swap3A_86 = arith.index_cast %swap3A_85 : i32 to index
    %swap3A_87 = arith.constant 16 : index
    %swap3A_88 = tpu.vector_load %arg12[%swap3A_86, %swap3A_87] {strides = array<i32>} : memref<6x256xf32, #tpu.memory_space<vmem>>, vector<16xf32>,
    tpu.vector_store %arg12[%swap3A_86, %swap3A_87], %gather3A_84 {strides = array<i32>} : memref<6x256xf32, #tpu.memory_space<vmem>>, vector<16xf32>,
    %gather3A_89 = tpu.vector_load_idx %arg6[%get3A_78] : memref<16384xf32, #tpu.memory_space<vmem>>[vector<16xi32>], vector<16xf32>,
    %swap3A_90 = arith.constant 2 : i32
    %swap3A_91 = arith.index_cast %swap3A_90 : i32 to index
    %swap3A_92 = arith.constant 16 : index
    %swap3A_93 = tpu.vector_load %arg12[%swap3A_91, %swap3A_92] {strides = array<i32>} : memref<6x256xf32, #tpu.memory_space<vmem>>, vector<16xf32>,
    tpu.vector_store %arg12[%swap3A_91, %swap3A_92], %gather3A_89 {strides = array<i32>} : memref<6x256xf32, #tpu.memory_space<vmem>>, vector<16xf32>,
    %gather3A_94 = tpu.vector_load_idx %arg7[%get3A_78] : memref<16384xf32, #tpu.memory_space<vmem>>[vector<16xi32>], vector<16xf32>,
    %swap3A_95 = arith.constant 3 : i32
    %swap3A_96 = arith.index_cast %swap3A_95 : i32 to index
    %swap3A_97 = arith.constant 16 : index
    %swap3A_98 = tpu.vector_load %arg12[%swap3A_96, %swap3A_97] {strides = array<i32>} : memref<6x256xf32, #tpu.memory_space<vmem>>, vector<16xf32>,
    tpu.vector_store %arg12[%swap3A_96, %swap3A_97], %gather3A_94 {strides = array<i32>} : memref<6x256xf32, #tpu.memory_space<vmem>>, vector<16xf32>,
    %gather3A_99 = tpu.vector_load_idx %arg8[%get3A_78] : memref<16384xf32, #tpu.memory_space<vmem>>[vector<16xi32>], vector<16xf32>,
    %swap3A_100 = arith.constant 4 : i32
    %swap3A_101 = arith.index_cast %swap3A_100 : i32 to index
    %swap3A_102 = arith.constant 16 : index
    %swap3A_103 = tpu.vector_load %arg12[%swap3A_101, %swap3A_102] {strides = array<i32>} : memref<6x256xf32, #tpu.memory_space<vmem>>, vector<16xf32>,
    tpu.vector_store %arg12[%swap3A_101, %swap3A_102], %gather3A_99 {strides = array<i32>} : memref<6x256xf32, #tpu.memory_space<vmem>>, vector<16xf32>,
    %gather3A_104 = tpu.vector_load_idx %arg9[%get3A_78] : memref<16384xf32, #tpu.memory_space<vmem>>[vector<16xi32>], vector<16xf32>,
    %swap3A_105 = arith.constant 5 : i32
    %swap3A_106 = arith.index_cast %swap3A_105 : i32 to index
    %swap3A_107 = arith.constant 16 : index
    %swap3A_108 = tpu.vector_load %arg12[%swap3A_106, %swap3A_107] {strides = array<i32>} : memref<6x256xf32, #tpu.memory_space<vmem>>, vector<16xf32>,
    tpu.vector_store %arg12[%swap3A_106, %swap3A_107], %gather3A_104 {strides = array<i32>} : memref<6x256xf32, #tpu.memory_space<vmem>>, vector<16xf32>,
    %get3A_109 = arith.constant 32 : index
    %get3A_110 = tpu.vector_load %arg11[%get3A_109] {strides = array<i32>} : memref<256xi32, #tpu.memory_space<vmem>>, vector<16xi32>,
    %gather3A_111 = tpu.vector_load_idx %arg4[%get3A_110] : memref<16384xf32, #tpu.memory_space<vmem>>[vector<16xi32>], vector<16xf32>,
    %swap3A_112 = arith.constant 0 : i32
    %swap3A_113 = arith.index_cast %swap3A_112 : i32 to index
    %swap3A_114 = arith.constant 32 : index
    %swap3A_115 = tpu.vector_load %arg12[%swap3A_113, %swap3A_114] {strides = array<i32>} : memref<6x256xf32, #tpu.memory_space<vmem>>, vector<16xf32>,
    tpu.vector_store %arg12[%swap3A_113, %swap3A_114], %gather3A_111 {strides = array<i32>} : memref<6x256xf32, #tpu.memory_space<vmem>>, vector<16xf32>,
    %gather3A_116 = tpu.vector_load_idx %arg5[%get3A_110] : memref<16384xf32, #tpu.memory_space<vmem>>[vector<16xi32>], vector<16xf32>,
    %swap3A_117 = arith.constant 1 : i32
    %swap3A_118 = arith.index_cast %swap3A_117 : i32 to index
    %swap3A_119 = arith.constant 32 : index
    %swap3A_120 = tpu.vector_load %arg12[%swap3A_118, %swap3A_119] {strides = array<i32>} : memref<6x256xf32, #tpu.memory_space<vmem>>, vector<16xf32>,
    tpu.vector_store %arg12[%swap3A_118, %swap3A_119], %gather3A_116 {strides = array<i32>} : memref<6x256xf32, #tpu.memory_space<vmem>>, vector<16xf32>,
    %gather3A_121 = tpu.vector_load_idx %arg6[%get3A_110] : memref<16384xf32, #tpu.memory_space<vmem>>[vector<16xi32>], vector<16xf32>,
    %swap3A_122 = arith.constant 2 : i32
    %swap3A_123 = arith.index_cast %swap3A_122 : i32 to index
    %swap3A_124 = arith.constant 32 : index
    %swap3A_125 = tpu.vector_load %arg12[%swap3A_123, %swap3A_124] {strides = array<i32>} : memref<6x256xf32, #tpu.memory_space<vmem>>, vector<16xf32>,
    tpu.vector_store %arg12[%swap3A_123, %swap3A_124], %gather3A_121 {strides = array<i32>} : memref<6x256xf32, #tpu.memory_space<vmem>>, vector<16xf32>,
    %gather3A_126 = tpu.vector_load_idx %arg7[%get3A_110] : memref<16384xf32, #tpu.memory_space<vmem>>[vector<16xi32>], vector<16xf32>,
    %swap3A_127 = arith.constant 3 : i32
    %swap3A_128 = arith.index_cast %swap3A_127 : i32 to index
    %swap3A_129 = arith.constant 32 : index
    %swap3A_130 = tpu.vector_load %arg12[%swap3A_128, %swap3A_129] {strides = array<i32>} : memref<6x256xf32, #tpu.memory_space<vmem>>, vector<16xf32>,
    tpu.vector_store %arg12[%swap3A_128, %swap3A_129], %gather3A_126 {strides = array<i32>} : memref<6x256xf32, #tpu.memory_space<vmem>>, vector<16xf32>,
    %gather3A_131 = tpu.vector_load_idx %arg8[%get3A_110] : memref<16384xf32, #tpu.memory_space<vmem>>[vector<16xi32>], vector<16xf32>,
    %swap3A_132 = arith.constant 4 : i32
    %swap3A_133 = arith.index_cast %swap3A_132 : i32 to index
    %swap3A_134 = arith.constant 32 : index
    %swap3A_135 = tpu.vector_load %arg12[%swap3A_133, %swap3A_134] {strides = array<i32>} : memref<6x256xf32, #tpu.memory_space<vmem>>, vector<16xf32>,
    tpu.vector_store %arg12[%swap3A_133, %swap3A_134], %gather3A_131 {strides = array<i32>} : memref<6x256xf32, #tpu.memory_space<vmem>>, vector<16xf32>,
    %gather3A_136 = tpu.vector_load_idx %arg9[%get3A_110] : memref<16384xf32, #tpu.memory_space<vmem>>[vector<16xi32>], vector<16xf32>,
    %swap3A_137 = arith.constant 5 : i32
    %swap3A_138 = arith.index_cast %swap3A_137 : i32 to index
    %swap3A_139 = arith.constant 32 : index
    %swap3A_140 = tpu.vector_load %arg12[%swap3A_138, %swap3A_139] {strides = array<i32>} : memref<6x256xf32, #tpu.memory_space<vmem>>, vector<16xf32>,
    tpu.vector_store %arg12[%swap3A_138, %swap3A_139], %gather3A_136 {strides = array<i32>} : memref<6x256xf32, #tpu.memory_space<vmem>>, vector<16xf32>,
    %get3A_141 = arith.constant 48 : index
    %get3A_142 = tpu.vector_load %arg11[%get3A_141] {strides = array<i32>} : memref<256xi32, #tpu.memory_space<vmem>>, vector<16xi32>,
    %gather3A_143 = tpu.vector_load_idx %arg4[%get3A_142] : memref<16384xf32, #tpu.memory_space<vmem>>[vector<16xi32>], vector<16xf32>,
    %swap3A_144 = arith.constant 0 : i32
    %swap3A_145 = arith.index_cast %swap3A_144 : i32 to index
    %swap3A_146 = arith.constant 48 : index
    %swap3A_147 = tpu.vector_load %arg12[%swap3A_145, %swap3A_146] {strides = array<i32>} : memref<6x256xf32, #tpu.memory_space<vmem>>, vector<16xf32>,
    tpu.vector_store %arg12[%swap3A_145, %swap3A_146], %gather3A_143 {strides = array<i32>} : memref<6x256xf32, #tpu.memory_space<vmem>>, vector<16xf32>,
    %gather3A_148 = tpu.vector_load_idx %arg5[%get3A_142] : memref<16384xf32, #tpu.memory_space<vmem>>[vector<16xi32>], vector<16xf32>,
    %swap3A_149 = arith.constant 1 : i32
    %swap3A_150 = arith.index_cast %swap3A_149 : i32 to index
    %swap3A_151 = arith.constant 48 : index
    %swap3A_152 = tpu.vector_load %arg12[%swap3A_150, %swap3A_151] {strides = array<i32>} : memref<6x256xf32, #tpu.memory_space<vmem>>, vector<16xf32>,
    tpu.vector_store %arg12[%swap3A_150, %swap3A_151], %gather3A_148 {strides = array<i32>} : memref<6x256xf32, #tpu.memory_space<vmem>>, vector<16xf32>,
    %gather3A_153 = tpu.vector_load_idx %arg6[%get3A_142] : memref<16384xf32, #tpu.memory_space<vmem>>[vector<16xi32>], vector<16xf32>,
    %swap3A_154 = arith.constant 2 : i32
    %swap3A_155 = arith.index_cast %swap3A_154 : i32 to index
    %swap3A_156 = arith.constant 48 : index
    %swap3A_157 = tpu.vector_load %arg12[%swap3A_155, %swap3A_156] {strides = array<i32>} : memref<6x256xf32, #tpu.memory_space<vmem>>, vector<16xf32>,
    tpu.vector_store %arg12[%swap3A_155, %swap3A_156], %gather3A_153 {strides = array<i32>} : memref<6x256xf32, #tpu.memory_space<vmem>>, vector<16xf32>,
    %gather3A_158 = tpu.vector_load_idx %arg7[%get3A_142] : memref<16384xf32, #tpu.memory_space<vmem>>[vector<16xi32>], vector<16xf32>,
    %swap3A_159 = arith.constant 3 : i32
    %swap3A_160 = arith.index_cast %swap3A_159 : i32 to index
    %swap3A_161 = arith.constant 48 : index
    %swap3A_162 = tpu.vector_load %arg12[%swap3A_160, %swap3A_161] {strides = array<i32>} : memref<6x256xf32, #tpu.memory_space<vmem>>, vector<16xf32>,
    tpu.vector_store %arg12[%swap3A_160, %swap3A_161], %gather3A_158 {strides = array<i32>} : memref<6x256xf32, #tpu.memory_space<vmem>>, vector<16xf32>,
    %gather3A_163 = tpu.vector_load_idx %arg8[%get3A_142] : memref<16384xf32, #tpu.memory_space<vmem>>[vector<16xi32>], vector<16xf32>,
    %swap3A_164 = arith.constant 4 : i32
    %swap3A_165 = arith.index_cast %swap3A_164 : i32 to index
    %swap3A_166 = arith.constant 48 : index
    %swap3A_167 = tpu.vector_load %arg12[%swap3A_165, %swap3A_166] {strides = array<i32>} : memref<6x256xf32, #tpu.memory_space<vmem>>, vector<16xf32>,
    tpu.vector_store %arg12[%swap3A_165, %swap3A_166], %gather3A_163 {strides = array<i32>} : memref<6x256xf32, #tpu.memory_space<vmem>>, vector<16xf32>,
    %gather3A_168 = tpu.vector_load_idx %arg9[%get3A_142] : memref<16384xf32, #tpu.memory_space<vmem>>[vector<16xi32>], vector<16xf32>,
    %swap3A_169 = arith.constant 5 : i32
    %swap3A_170 = arith.index_cast %swap3A_169 : i32 to index
    %swap3A_171 = arith.constant 48 : index
    %swap3A_172 = tpu.vector_load %arg12[%swap3A_170, %swap3A_171] {strides = array<i32>} : memref<6x256xf32, #tpu.memory_space<vmem>>, vector<16xf32>,
    tpu.vector_store %arg12[%swap3A_170, %swap3A_171], %gather3A_168 {strides = array<i32>} : memref<6x256xf32, #tpu.memory_space<vmem>>, vector<16xf32>,
    %get3A_173 = arith.constant 64 : index
    %get3A_174 = tpu.vector_load %arg11[%get3A_173] {strides = array<i32>} : memref<256xi32, #tpu.memory_space<vmem>>, vector<16xi32>,
    %gather3A_175 = tpu.vector_load_idx %arg4[%get3A_174] : memref<16384xf32, #tpu.memory_space<vmem>>[vector<16xi32>], vector<16xf32>,
    %swap3A_176 = arith.constant 0 : i32
    %swap3A_177 = arith.index_cast %swap3A_176 : i32 to index
    %swap3A_178 = arith.constant 64 : index
    %swap3A_179 = tpu.vector_load %arg12[%swap3A_177, %swap3A_178] {strides = array<i32>} : memref<6x256xf32, #tpu.memory_space<vmem>>, vector<16xf32>,
    tpu.vector_store %arg12[%swap3A_177, %swap3A_178], %gather3A_175 {strides = array<i32>} : memref<6x256xf32, #tpu.memory_space<vmem>>, vector<16xf32>,
    %gather3A_180 = tpu.vector_load_idx %arg5[%get3A_174] : memref<16384xf32, #tpu.memory_space<vmem>>[vector<16xi32>], vector<16xf32>,
    %swap3A_181 = arith.constant 1 : i32
    %swap3A_182 = arith.index_cast %swap3A_181 : i32 to index
    %swap3A_183 = arith.constant 64 : index
    %swap3A_184 = tpu.vector_load %arg12[%swap3A_182, %swap3A_183] {strides = array<i32>} : memref<6x256xf32, #tpu.memory_space<vmem>>, vector<16xf32>,
    tpu.vector_store %arg12[%swap3A_182, %swap3A_183], %gather3A_180 {strides = array<i32>} : memref<6x256xf32, #tpu.memory_space<vmem>>, vector<16xf32>,
    %gather3A_185 = tpu.vector_load_idx %arg6[%get3A_174] : memref<16384xf32, #tpu.memory_space<vmem>>[vector<16xi32>], vector<16xf32>,
    %swap3A_186 = arith.constant 2 : i32
    %swap3A_187 = arith.index_cast %swap3A_186 : i32 to index
    %swap3A_188 = arith.constant 64 : index
    %swap3A_189 = tpu.vector_load %arg12[%swap3A_187, %swap3A_188] {strides = array<i32>} : memref<6x256xf32, #tpu.memory_space<vmem>>, vector<16xf32>,
    tpu.vector_store %arg12[%swap3A_187, %swap3A_188], %gather3A_185 {strides = array<i32>} : memref<6x256xf32, #tpu.memory_space<vmem>>, vector<16xf32>,
    %gather3A_190 = tpu.vector_load_idx %arg7[%get3A_174] : memref<16384xf32, #tpu.memory_space<vmem>>[vector<16xi32>], vector<16xf32>,
    %swap3A_191 = arith.constant 3 : i32
    %swap3A_192 = arith.index_cast %swap3A_191 : i32 to index
    %swap3A_193 = arith.constant 64 : index
    %swap3A_194 = tpu.vector_load %arg12[%swap3A_192, %swap3A_193] {strides = array<i32>} : memref<6x256xf32, #tpu.memory_space<vmem>>, vector<16xf32>,
    tpu.vector_store %arg12[%swap3A_192, %swap3A_193], %gather3A_190 {strides = array<i32>} : memref<6x256xf32, #tpu.memory_space<vmem>>, vector<16xf32>,
    %gather3A_195 = tpu.vector_load_idx %arg8[%get3A_174] : memref<16384xf32, #tpu.memory_space<vmem>>[vector<16xi32>], vector<16xf32>,
    %swap3A_196 = arith.constant 4 : i32
    %swap3A_197 = arith.index_cast %swap3A_196 : i32 to index
    %swap3A_198 = arith.constant 64 : index
    %swap3A_199 = tpu.vector_load %arg12[%swap3A_197, %swap3A_198] {strides = array<i32>} : memref<6x256xf32, #tpu.memory_space<vmem>>, vector<16xf32>,
    tpu.vector_store %arg12[%swap3A_197, %swap3A_198], %gather3A_195 {strides = array<i32>} : memref<6x256xf32, #tpu.memory_space<vmem>>, vector<16xf32>,
    %gather3A_200 = tpu.vector_load_idx %arg9[%get3A_174] : memref<16384xf32, #tpu.memory_space<vmem>>[vector<16xi32>], vector<16xf32>,
    %swap3A_201 = arith.constant 5 : i32
    %swap3A_202 = arith.index_cast %swap3A_201 : i32 to index
    %swap3A_203 = arith.constant 64 : index
    %swap3A_204 = tpu.vector_load %arg12[%swap3A_202, %swap3A_203] {strides = array<i32>} : memref<6x256xf32, #tpu.memory_space<vmem>>, vector<16xf32>,
    tpu.vector_store %arg12[%swap3A_202, %swap3A_203], %gather3A_200 {strides = array<i32>} : memref<6x256xf32, #tpu.memory_space<vmem>>, vector<16xf32>,
    %get3A_205 = arith.constant 80 : index
    %get3A_206 = tpu.vector_load %arg11[%get3A_205] {strides = array<i32>} : memref<256xi32, #tpu.memory_space<vmem>>, vector<16xi32>,
    %gather3A_207 = tpu.vector_load_idx %arg4[%get3A_206] : memref<16384xf32, #tpu.memory_space<vmem>>[vector<16xi32>], vector<16xf32>,
    %swap3A_208 = arith.constant 0 : i32
    %swap3A_209 = arith.index_cast %swap3A_208 : i32 to index
    %swap3A_210 = arith.constant 80 : index
    %swap3A_211 = tpu.vector_load %arg12[%swap3A_209, %swap3A_210] {strides = array<i32>} : memref<6x256xf32, #tpu.memory_space<vmem>>, vector<16xf32>,
    tpu.vector_store %arg12[%swap3A_209, %swap3A_210], %gather3A_207 {strides = array<i32>} : memref<6x256xf32, #tpu.memory_space<vmem>>, vector<16xf32>,
    %gather3A_212 = tpu.vector_load_idx %arg5[%get3A_206] : memref<16384xf32, #tpu.memory_space<vmem>>[vector<16xi32>], vector<16xf32>,
    %swap3A_213 = arith.constant 1 : i32
    %swap3A_214 = arith.index_cast %swap3A_213 : i32 to index
    %swap3A_215 = arith.constant 80 : index
    %swap3A_216 = tpu.vector_load %arg12[%swap3A_214, %swap3A_215] {strides = array<i32>} : memref<6x256xf32, #tpu.memory_space<vmem>>, vector<16xf32>,
    tpu.vector_store %arg12[%swap3A_214, %swap3A_215], %gather3A_212 {strides = array<i32>} : memref<6x256xf32, #tpu.memory_space<vmem>>, vector<16xf32>,
    %gather3A_217 = tpu.vector_load_idx %arg6[%get3A_206] : memref<16384xf32, #tpu.memory_space<vmem>>[vector<16xi32>], vector<16xf32>,
    %swap3A_218 = arith.constant 2 : i32
    %swap3A_219 = arith.index_cast %swap3A_218 : i32 to index
    %swap3A_220 = arith.constant 80 : index
    %swap3A_221 = tpu.vector_load %arg12[%swap3A_219, %swap3A_220] {strides = array<i32>} : memref<6x256xf32, #tpu.memory_space<vmem>>, vector<16xf32>,
    tpu.vector_store %arg12[%swap3A_219, %swap3A_220], %gather3A_217 {strides = array<i32>} : memref<6x256xf32, #tpu.memory_space<vmem>>, vector<16xf32>,
    %gather3A_222 = tpu.vector_load_idx %arg7[%get3A_206] : memref<16384xf32, #tpu.memory_space<vmem>>[vector<16xi32>], vector<16xf32>,
    %swap3A_223 = arith.constant 3 : i32
    %swap3A_224 = arith.index_cast %swap3A_223 : i32 to index
    %swap3A_225 = arith.constant 80 : index
    %swap3A_226 = tpu.vector_load %arg12[%swap3A_224, %swap3A_225] {strides = array<i32>} : memref<6x256xf32, #tpu.memory_space<vmem>>, vector<16xf32>,
    tpu.vector_store %arg12[%swap3A_224, %swap3A_225], %gather3A_222 {strides = array<i32>} : memref<6x256xf32, #tpu.memory_space<vmem>>, vector<16xf32>,
    %gather3A_227 = tpu.vector_load_idx %arg8[%get3A_206] : memref<16384xf32, #tpu.memory_space<vmem>>[vector<16xi32>], vector<16xf32>,
    %swap3A_228 = arith.constant 4 : i32
    %swap3A_229 = arith.index_cast %swap3A_228 : i32 to index
    %swap3A_230 = arith.constant 80 : index
    %swap3A_231 = tpu.vector_load %arg12[%swap3A_229, %swap3A_230] {strides = array<i32>} : memref<6x256xf32, #tpu.memory_space<vmem>>, vector<16xf32>,
    tpu.vector_store %arg12[%swap3A_229, %swap3A_230], %gather3A_227 {strides = array<i32>} : memref<6x256xf32, #tpu.memory_space<vmem>>, vector<16xf32>,
    %gather3A_232 = tpu.vector_load_idx %arg9[%get3A_206] : memref<16384xf32, #tpu.memory_space<vmem>>[vector<16xi32>], vector<16xf32>,
    %swap3A_233 = arith.constant 5 : i32
    %swap3A_234 = arith.index_cast %swap3A_233 : i32 to index
    %swap3A_235 = arith.constant 80 : index
    %swap3A_236 = tpu.vector_load %arg12[%swap3A_234, %swap3A_235] {strides = array<i32>} : memref<6x256xf32, #tpu.memory_space<vmem>>, vector<16xf32>,
    tpu.vector_store %arg12[%swap3A_234, %swap3A_235], %gather3A_232 {strides = array<i32>} : memref<6x256xf32, #tpu.memory_space<vmem>>, vector<16xf32>,
    %get3A_237 = arith.constant 96 : index
    %get3A_238 = tpu.vector_load %arg11[%get3A_237] {strides = array<i32>} : memref<256xi32, #tpu.memory_space<vmem>>, vector<16xi32>,
    %gather3A_239 = tpu.vector_load_idx %arg4[%get3A_238] : memref<16384xf32, #tpu.memory_space<vmem>>[vector<16xi32>], vector<16xf32>,
    %swap3A_240 = arith.constant 0 : i32
    %swap3A_241 = arith.index_cast %swap3A_240 : i32 to index
    %swap3A_242 = arith.constant 96 : index
    %swap3A_243 = tpu.vector_load %arg12[%swap3A_241, %swap3A_242] {strides = array<i32>} : memref<6x256xf32, #tpu.memory_space<vmem>>, vector<16xf32>,
    tpu.vector_store %arg12[%swap3A_241, %swap3A_242], %gather3A_239 {strides = array<i32>} : memref<6x256xf32, #tpu.memory_space<vmem>>, vector<16xf32>,
    %gather3A_244 = tpu.vector_load_idx %arg5[%get3A_238] : memref<16384xf32, #tpu.memory_space<vmem>>[vector<16xi32>], vector<16xf32>,
    %swap3A_245 = arith.constant 1 : i32
    %swap3A_246 = arith.index_cast %swap3A_245 : i32 to index
    %swap3A_247 = arith.constant 96 : index
    %swap3A_248 = tpu.vector_load %arg12[%swap3A_246, %swap3A_247] {strides = array<i32>} : memref<6x256xf32, #tpu.memory_space<vmem>>, vector<16xf32>,
    tpu.vector_store %arg12[%swap3A_246, %swap3A_247], %gather3A_244 {strides = array<i32>} : memref<6x256xf32, #tpu.memory_space<vmem>>, vector<16xf32>,
    %gather3A_249 = tpu.vector_load_idx %arg6[%get3A_238] : memref<16384xf32, #tpu.memory_space<vmem>>[vector<16xi32>], vector<16xf32>,
    %swap3A_250 = arith.constant 2 : i32
    %swap3A_251 = arith.index_cast %swap3A_250 : i32 to index
    %swap3A_252 = arith.constant 96 : index
    %swap3A_253 = tpu.vector_load %arg12[%swap3A_251, %swap3A_252] {strides = array<i32>} : memref<6x256xf32, #tpu.memory_space<vmem>>, vector<16xf32>,
    tpu.vector_store %arg12[%swap3A_251, %swap3A_252], %gather3A_249 {strides = array<i32>} : memref<6x256xf32, #tpu.memory_space<vmem>>, vector<16xf32>,
    %gather3A_254 = tpu.vector_load_idx %arg7[%get3A_238] : memref<16384xf32, #tpu.memory_space<vmem>>[vector<16xi32>], vector<16xf32>,
    %swap3A_255 = arith.constant 3 : i32
    %swap3A_256 = arith.index_cast %swap3A_255 : i32 to index
    %swap3A_257 = arith.constant 96 : index
    %swap3A_258 = tpu.vector_load %arg12[%swap3A_256, %swap3A_257] {strides = array<i32>} : memref<6x256xf32, #tpu.memory_space<vmem>>, vector<16xf32>,
    tpu.vector_store %arg12[%swap3A_256, %swap3A_257], %gather3A_254 {strides = array<i32>} : memref<6x256xf32, #tpu.memory_space<vmem>>, vector<16xf32>,
    %gather3A_259 = tpu.vector_load_idx %arg8[%get3A_238] : memref<16384xf32, #tpu.memory_space<vmem>>[vector<16xi32>], vector<16xf32>,
    %swap3A_260 = arith.constant 4 : i32
    %swap3A_261 = arith.index_cast %swap3A_260 : i32 to index
    %swap3A_262 = arith.constant 96 : index
    %swap3A_263 = tpu.vector_load %arg12[%swap3A_261, %swap3A_262] {strides = array<i32>} : memref<6x256xf32, #tpu.memory_space<vmem>>, vector<16xf32>,
    tpu.vector_store %arg12[%swap3A_261, %swap3A_262], %gather3A_259 {strides = array<i32>} : memref<6x256xf32, #tpu.memory_space<vmem>>, vector<16xf32>,
    %gather3A_264 = tpu.vector_load_idx %arg9[%get3A_238] : memref<16384xf32, #tpu.memory_space<vmem>>[vector<16xi32>], vector<16xf32>,
    %swap3A_265 = arith.constant 5 : i32
    %swap3A_266 = arith.index_cast %swap3A_265 : i32 to index
    %swap3A_267 = arith.constant 96 : index
    %swap3A_268 = tpu.vector_load %arg12[%swap3A_266, %swap3A_267] {strides = array<i32>} : memref<6x256xf32, #tpu.memory_space<vmem>>, vector<16xf32>,
    tpu.vector_store %arg12[%swap3A_266, %swap3A_267], %gather3A_264 {strides = array<i32>} : memref<6x256xf32, #tpu.memory_space<vmem>>, vector<16xf32>,
    %get3A_269 = arith.constant 112 : index
    %get3A_270 = tpu.vector_load %arg11[%get3A_269] {strides = array<i32>} : memref<256xi32, #tpu.memory_space<vmem>>, vector<16xi32>,
    %gather3A_271 = tpu.vector_load_idx %arg4[%get3A_270] : memref<16384xf32, #tpu.memory_space<vmem>>[vector<16xi32>], vector<16xf32>,
    %swap3A_272 = arith.constant 0 : i32
    %swap3A_273 = arith.index_cast %swap3A_272 : i32 to index
    %swap3A_274 = arith.constant 112 : index
    %swap3A_275 = tpu.vector_load %arg12[%swap3A_273, %swap3A_274] {strides = array<i32>} : memref<6x256xf32, #tpu.memory_space<vmem>>, vector<16xf32>,
    tpu.vector_store %arg12[%swap3A_273, %swap3A_274], %gather3A_271 {strides = array<i32>} : memref<6x256xf32, #tpu.memory_space<vmem>>, vector<16xf32>,
    %gather3A_276 = tpu.vector_load_idx %arg5[%get3A_270] : memref<16384xf32, #tpu.memory_space<vmem>>[vector<16xi32>], vector<16xf32>,
    %swap3A_277 = arith.constant 1 : i32
    %swap3A_278 = arith.index_cast %swap3A_277 : i32 to index
    %swap3A_279 = arith.constant 112 : index
    %swap3A_280 = tpu.vector_load %arg12[%swap3A_278, %swap3A_279] {strides = array<i32>} : memref<6x256xf32, #tpu.memory_space<vmem>>, vector<16xf32>,
    tpu.vector_store %arg12[%swap3A_278, %swap3A_279], %gather3A_276 {strides = array<i32>} : memref<6x256xf32, #tpu.memory_space<vmem>>, vector<16xf32>,
    %gather3A_281 = tpu.vector_load_idx %arg6[%get3A_270] : memref<16384xf32, #tpu.memory_space<vmem>>[vector<16xi32>], vector<16xf32>,
    %swap3A_282 = arith.constant 2 : i32
    %swap3A_283 = arith.index_cast %swap3A_282 : i32 to index
    %swap3A_284 = arith.constant 112 : index
    %swap3A_285 = tpu.vector_load %arg12[%swap3A_283, %swap3A_284] {strides = array<i32>} : memref<6x256xf32, #tpu.memory_space<vmem>>, vector<16xf32>,
    tpu.vector_store %arg12[%swap3A_283, %swap3A_284], %gather3A_281 {strides = array<i32>} : memref<6x256xf32, #tpu.memory_space<vmem>>, vector<16xf32>,
    %gather3A_286 = tpu.vector_load_idx %arg7[%get3A_270] : memref<16384xf32, #tpu.memory_space<vmem>>[vector<16xi32>], vector<16xf32>,
    %swap3A_287 = arith.constant 3 : i32
    %swap3A_288 = arith.index_cast %swap3A_287 : i32 to index
    %swap3A_289 = arith.constant 112 : index
    %swap3A_290 = tpu.vector_load %arg12[%swap3A_288, %swap3A_289] {strides = array<i32>} : memref<6x256xf32, #tpu.memory_space<vmem>>, vector<16xf32>,
    tpu.vector_store %arg12[%swap3A_288, %swap3A_289], %gather3A_286 {strides = array<i32>} : memref<6x256xf32, #tpu.memory_space<vmem>>, vector<16xf32>,
    %gather3A_291 = tpu.vector_load_idx %arg8[%get3A_270] : memref<16384xf32, #tpu.memory_space<vmem>>[vector<16xi32>], vector<16xf32>,
    %swap3A_292 = arith.constant 4 : i32
    %swap3A_293 = arith.index_cast %swap3A_292 : i32 to index
    %swap3A_294 = arith.constant 112 : index
    %swap3A_295 = tpu.vector_load %arg12[%swap3A_293, %swap3A_294] {strides = array<i32>} : memref<6x256xf32, #tpu.memory_space<vmem>>, vector<16xf32>,
    tpu.vector_store %arg12[%swap3A_293, %swap3A_294], %gather3A_291 {strides = array<i32>} : memref<6x256xf32, #tpu.memory_space<vmem>>, vector<16xf32>,
    %gather3A_296 = tpu.vector_load_idx %arg9[%get3A_270] : memref<16384xf32, #tpu.memory_space<vmem>>[vector<16xi32>], vector<16xf32>,
    %swap3A_297 = arith.constant 5 : i32
    %swap3A_298 = arith.index_cast %swap3A_297 : i32 to index
    %swap3A_299 = arith.constant 112 : index
    %swap3A_300 = tpu.vector_load %arg12[%swap3A_298, %swap3A_299] {strides = array<i32>} : memref<6x256xf32, #tpu.memory_space<vmem>>, vector<16xf32>,
    tpu.vector_store %arg12[%swap3A_298, %swap3A_299], %gather3A_296 {strides = array<i32>} : memref<6x256xf32, #tpu.memory_space<vmem>>, vector<16xf32>,
    %get3A_301 = arith.constant 128 : index
    %get3A_302 = tpu.vector_load %arg11[%get3A_301] {strides = array<i32>} : memref<256xi32, #tpu.memory_space<vmem>>, vector<16xi32>,
    %gather3A_303 = tpu.vector_load_idx %arg4[%get3A_302] : memref<16384xf32, #tpu.memory_space<vmem>>[vector<16xi32>], vector<16xf32>,
    %swap3A_304 = arith.constant 0 : i32
    %swap3A_305 = arith.index_cast %swap3A_304 : i32 to index
    %swap3A_306 = arith.constant 128 : index
    %swap3A_307 = tpu.vector_load %arg12[%swap3A_305, %swap3A_306] {strides = array<i32>} : memref<6x256xf32, #tpu.memory_space<vmem>>, vector<16xf32>,
    tpu.vector_store %arg12[%swap3A_305, %swap3A_306], %gather3A_303 {strides = array<i32>} : memref<6x256xf32, #tpu.memory_space<vmem>>, vector<16xf32>,
    %gather3A_308 = tpu.vector_load_idx %arg5[%get3A_302] : memref<16384xf32, #tpu.memory_space<vmem>>[vector<16xi32>], vector<16xf32>,
    %swap3A_309 = arith.constant 1 : i32
    %swap3A_310 = arith.index_cast %swap3A_309 : i32 to index
    %swap3A_311 = arith.constant 128 : index
    %swap3A_312 = tpu.vector_load %arg12[%swap3A_310, %swap3A_311] {strides = array<i32>} : memref<6x256xf32, #tpu.memory_space<vmem>>, vector<16xf32>,
    tpu.vector_store %arg12[%swap3A_310, %swap3A_311], %gather3A_308 {strides = array<i32>} : memref<6x256xf32, #tpu.memory_space<vmem>>, vector<16xf32>,
    %gather3A_313 = tpu.vector_load_idx %arg6[%get3A_302] : memref<16384xf32, #tpu.memory_space<vmem>>[vector<16xi32>], vector<16xf32>,
    %swap3A_314 = arith.constant 2 : i32
    %swap3A_315 = arith.index_cast %swap3A_314 : i32 to index
    %swap3A_316 = arith.constant 128 : index
    %swap3A_317 = tpu.vector_load %arg12[%swap3A_315, %swap3A_316] {strides = array<i32>} : memref<6x256xf32, #tpu.memory_space<vmem>>, vector<16xf32>,
    tpu.vector_store %arg12[%swap3A_315, %swap3A_316], %gather3A_313 {strides = array<i32>} : memref<6x256xf32, #tpu.memory_space<vmem>>, vector<16xf32>,
    %gather3A_318 = tpu.vector_load_idx %arg7[%get3A_302] : memref<16384xf32, #tpu.memory_space<vmem>>[vector<16xi32>], vector<16xf32>,
    %swap3A_319 = arith.constant 3 : i32
    %swap3A_320 = arith.index_cast %swap3A_319 : i32 to index
    %swap3A_321 = arith.constant 128 : index
    %swap3A_322 = tpu.vector_load %arg12[%swap3A_320, %swap3A_321] {strides = array<i32>} : memref<6x256xf32, #tpu.memory_space<vmem>>, vector<16xf32>,
    tpu.vector_store %arg12[%swap3A_320, %swap3A_321], %gather3A_318 {strides = array<i32>} : memref<6x256xf32, #tpu.memory_space<vmem>>, vector<16xf32>,
    %gather3A_323 = tpu.vector_load_idx %arg8[%get3A_302] : memref<16384xf32, #tpu.memory_space<vmem>>[vector<16xi32>], vector<16xf32>,
    %swap3A_324 = arith.constant 4 : i32
    %swap3A_325 = arith.index_cast %swap3A_324 : i32 to index
    %swap3A_326 = arith.constant 128 : index
    %swap3A_327 = tpu.vector_load %arg12[%swap3A_325, %swap3A_326] {strides = array<i32>} : memref<6x256xf32, #tpu.memory_space<vmem>>, vector<16xf32>,
    tpu.vector_store %arg12[%swap3A_325, %swap3A_326], %gather3A_323 {strides = array<i32>} : memref<6x256xf32, #tpu.memory_space<vmem>>, vector<16xf32>,
    %gather3A_328 = tpu.vector_load_idx %arg9[%get3A_302] : memref<16384xf32, #tpu.memory_space<vmem>>[vector<16xi32>], vector<16xf32>,
    %swap3A_329 = arith.constant 5 : i32
    %swap3A_330 = arith.index_cast %swap3A_329 : i32 to index
    %swap3A_331 = arith.constant 128 : index
    %swap3A_332 = tpu.vector_load %arg12[%swap3A_330, %swap3A_331] {strides = array<i32>} : memref<6x256xf32, #tpu.memory_space<vmem>>, vector<16xf32>,
    tpu.vector_store %arg12[%swap3A_330, %swap3A_331], %gather3A_328 {strides = array<i32>} : memref<6x256xf32, #tpu.memory_space<vmem>>, vector<16xf32>,
    %get3A_333 = arith.constant 144 : index
    %get3A_334 = tpu.vector_load %arg11[%get3A_333] {strides = array<i32>} : memref<256xi32, #tpu.memory_space<vmem>>, vector<16xi32>,
    %gather3A_335 = tpu.vector_load_idx %arg4[%get3A_334] : memref<16384xf32, #tpu.memory_space<vmem>>[vector<16xi32>], vector<16xf32>,
    %swap3A_336 = arith.constant 0 : i32
    %swap3A_337 = arith.index_cast %swap3A_336 : i32 to index
    %swap3A_338 = arith.constant 144 : index
    %swap3A_339 = tpu.vector_load %arg12[%swap3A_337, %swap3A_338] {strides = array<i32>} : memref<6x256xf32, #tpu.memory_space<vmem>>, vector<16xf32>,
    tpu.vector_store %arg12[%swap3A_337, %swap3A_338], %gather3A_335 {strides = array<i32>} : memref<6x256xf32, #tpu.memory_space<vmem>>, vector<16xf32>,
    %gather3A_340 = tpu.vector_load_idx %arg5[%get3A_334] : memref<16384xf32, #tpu.memory_space<vmem>>[vector<16xi32>], vector<16xf32>,
    %swap3A_341 = arith.constant 1 : i32
    %swap3A_342 = arith.index_cast %swap3A_341 : i32 to index
    %swap3A_343 = arith.constant 144 : index
    %swap3A_344 = tpu.vector_load %arg12[%swap3A_342, %swap3A_343] {strides = array<i32>} : memref<6x256xf32, #tpu.memory_space<vmem>>, vector<16xf32>,
    tpu.vector_store %arg12[%swap3A_342, %swap3A_343], %gather3A_340 {strides = array<i32>} : memref<6x256xf32, #tpu.memory_space<vmem>>, vector<16xf32>,
    %gather3A_345 = tpu.vector_load_idx %arg6[%get3A_334] : memref<16384xf32, #tpu.memory_space<vmem>>[vector<16xi32>], vector<16xf32>,
    %swap3A_346 = arith.constant 2 : i32
    %swap3A_347 = arith.index_cast %swap3A_346 : i32 to index
    %swap3A_348 = arith.constant 144 : index
    %swap3A_349 = tpu.vector_load %arg12[%swap3A_347, %swap3A_348] {strides = array<i32>} : memref<6x256xf32, #tpu.memory_space<vmem>>, vector<16xf32>,
    tpu.vector_store %arg12[%swap3A_347, %swap3A_348], %gather3A_345 {strides = array<i32>} : memref<6x256xf32, #tpu.memory_space<vmem>>, vector<16xf32>,
    %gather3A_350 = tpu.vector_load_idx %arg7[%get3A_334] : memref<16384xf32, #tpu.memory_space<vmem>>[vector<16xi32>], vector<16xf32>,
    %swap3A_351 = arith.constant 3 : i32
    %swap3A_352 = arith.index_cast %swap3A_351 : i32 to index
    %swap3A_353 = arith.constant 144 : index
    %swap3A_354 = tpu.vector_load %arg12[%swap3A_352, %swap3A_353] {strides = array<i32>} : memref<6x256xf32, #tpu.memory_space<vmem>>, vector<16xf32>,
    tpu.vector_store %arg12[%swap3A_352, %swap3A_353], %gather3A_350 {strides = array<i32>} : memref<6x256xf32, #tpu.memory_space<vmem>>, vector<16xf32>,
    %gather3A_355 = tpu.vector_load_idx %arg8[%get3A_334] : memref<16384xf32, #tpu.memory_space<vmem>>[vector<16xi32>], vector<16xf32>,
    %swap3A_356 = arith.constant 4 : i32
    %swap3A_357 = arith.index_cast %swap3A_356 : i32 to index
    %swap3A_358 = arith.constant 144 : index
    %swap3A_359 = tpu.vector_load %arg12[%swap3A_357, %swap3A_358] {strides = array<i32>} : memref<6x256xf32, #tpu.memory_space<vmem>>, vector<16xf32>,
    tpu.vector_store %arg12[%swap3A_357, %swap3A_358], %gather3A_355 {strides = array<i32>} : memref<6x256xf32, #tpu.memory_space<vmem>>, vector<16xf32>,
    %gather3A_360 = tpu.vector_load_idx %arg9[%get3A_334] : memref<16384xf32, #tpu.memory_space<vmem>>[vector<16xi32>], vector<16xf32>,
    %swap3A_361 = arith.constant 5 : i32
    %swap3A_362 = arith.index_cast %swap3A_361 : i32 to index
    %swap3A_363 = arith.constant 144 : index
    %swap3A_364 = tpu.vector_load %arg12[%swap3A_362, %swap3A_363] {strides = array<i32>} : memref<6x256xf32, #tpu.memory_space<vmem>>, vector<16xf32>,
    tpu.vector_store %arg12[%swap3A_362, %swap3A_363], %gather3A_360 {strides = array<i32>} : memref<6x256xf32, #tpu.memory_space<vmem>>, vector<16xf32>,
    %get3A_365 = arith.constant 160 : index
    %get3A_366 = tpu.vector_load %arg11[%get3A_365] {strides = array<i32>} : memref<256xi32, #tpu.memory_space<vmem>>, vector<16xi32>,
    %gather3A_367 = tpu.vector_load_idx %arg4[%get3A_366] : memref<16384xf32, #tpu.memory_space<vmem>>[vector<16xi32>], vector<16xf32>,
    %swap3A_368 = arith.constant 0 : i32
    %swap3A_369 = arith.index_cast %swap3A_368 : i32 to index
    %swap3A_370 = arith.constant 160 : index
    %swap3A_371 = tpu.vector_load %arg12[%swap3A_369, %swap3A_370] {strides = array<i32>} : memref<6x256xf32, #tpu.memory_space<vmem>>, vector<16xf32>,
    tpu.vector_store %arg12[%swap3A_369, %swap3A_370], %gather3A_367 {strides = array<i32>} : memref<6x256xf32, #tpu.memory_space<vmem>>, vector<16xf32>,
    %gather3A_372 = tpu.vector_load_idx %arg5[%get3A_366] : memref<16384xf32, #tpu.memory_space<vmem>>[vector<16xi32>], vector<16xf32>,
    %swap3A_373 = arith.constant 1 : i32
    %swap3A_374 = arith.index_cast %swap3A_373 : i32 to index
    %swap3A_375 = arith.constant 160 : index
    %swap3A_376 = tpu.vector_load %arg12[%swap3A_374, %swap3A_375] {strides = array<i32>} : memref<6x256xf32, #tpu.memory_space<vmem>>, vector<16xf32>,
    tpu.vector_store %arg12[%swap3A_374, %swap3A_375], %gather3A_372 {strides = array<i32>} : memref<6x256xf32, #tpu.memory_space<vmem>>, vector<16xf32>,
    %gather3A_377 = tpu.vector_load_idx %arg6[%get3A_366] : memref<16384xf32, #tpu.memory_space<vmem>>[vector<16xi32>], vector<16xf32>,
    %swap3A_378 = arith.constant 2 : i32
    %swap3A_379 = arith.index_cast %swap3A_378 : i32 to index
    %swap3A_380 = arith.constant 160 : index
    %swap3A_381 = tpu.vector_load %arg12[%swap3A_379, %swap3A_380] {strides = array<i32>} : memref<6x256xf32, #tpu.memory_space<vmem>>, vector<16xf32>,
    tpu.vector_store %arg12[%swap3A_379, %swap3A_380], %gather3A_377 {strides = array<i32>} : memref<6x256xf32, #tpu.memory_space<vmem>>, vector<16xf32>,
    %gather3A_382 = tpu.vector_load_idx %arg7[%get3A_366] : memref<16384xf32, #tpu.memory_space<vmem>>[vector<16xi32>], vector<16xf32>,
    %swap3A_383 = arith.constant 3 : i32
    %swap3A_384 = arith.index_cast %swap3A_383 : i32 to index
    %swap3A_385 = arith.constant 160 : index
    %swap3A_386 = tpu.vector_load %arg12[%swap3A_384, %swap3A_385] {strides = array<i32>} : memref<6x256xf32, #tpu.memory_space<vmem>>, vector<16xf32>,
    tpu.vector_store %arg12[%swap3A_384, %swap3A_385], %gather3A_382 {strides = array<i32>} : memref<6x256xf32, #tpu.memory_space<vmem>>, vector<16xf32>,
    %gather3A_387 = tpu.vector_load_idx %arg8[%get3A_366] : memref<16384xf32, #tpu.memory_space<vmem>>[vector<16xi32>], vector<16xf32>,
    %swap3A_388 = arith.constant 4 : i32
    %swap3A_389 = arith.index_cast %swap3A_388 : i32 to index
    %swap3A_390 = arith.constant 160 : index
    %swap3A_391 = tpu.vector_load %arg12[%swap3A_389, %swap3A_390] {strides = array<i32>} : memref<6x256xf32, #tpu.memory_space<vmem>>, vector<16xf32>,
    tpu.vector_store %arg12[%swap3A_389, %swap3A_390], %gather3A_387 {strides = array<i32>} : memref<6x256xf32, #tpu.memory_space<vmem>>, vector<16xf32>,
    %gather3A_392 = tpu.vector_load_idx %arg9[%get3A_366] : memref<16384xf32, #tpu.memory_space<vmem>>[vector<16xi32>], vector<16xf32>,
    %swap3A_393 = arith.constant 5 : i32
    %swap3A_394 = arith.index_cast %swap3A_393 : i32 to index
    %swap3A_395 = arith.constant 160 : index
    %swap3A_396 = tpu.vector_load %arg12[%swap3A_394, %swap3A_395] {strides = array<i32>} : memref<6x256xf32, #tpu.memory_space<vmem>>, vector<16xf32>,
    tpu.vector_store %arg12[%swap3A_394, %swap3A_395], %gather3A_392 {strides = array<i32>} : memref<6x256xf32, #tpu.memory_space<vmem>>, vector<16xf32>,
    %get3A_397 = arith.constant 176 : index
    %get3A_398 = tpu.vector_load %arg11[%get3A_397] {strides = array<i32>} : memref<256xi32, #tpu.memory_space<vmem>>, vector<16xi32>,
    %gather3A_399 = tpu.vector_load_idx %arg4[%get3A_398] : memref<16384xf32, #tpu.memory_space<vmem>>[vector<16xi32>], vector<16xf32>,
    %swap3A_400 = arith.constant 0 : i32
    %swap3A_401 = arith.index_cast %swap3A_400 : i32 to index
    %swap3A_402 = arith.constant 176 : index
    %swap3A_403 = tpu.vector_load %arg12[%swap3A_401, %swap3A_402] {strides = array<i32>} : memref<6x256xf32, #tpu.memory_space<vmem>>, vector<16xf32>,
    tpu.vector_store %arg12[%swap3A_401, %swap3A_402], %gather3A_399 {strides = array<i32>} : memref<6x256xf32, #tpu.memory_space<vmem>>, vector<16xf32>,
    %gather3A_404 = tpu.vector_load_idx %arg5[%get3A_398] : memref<16384xf32, #tpu.memory_space<vmem>>[vector<16xi32>], vector<16xf32>,
    %swap3A_405 = arith.constant 1 : i32
    %swap3A_406 = arith.index_cast %swap3A_405 : i32 to index
    %swap3A_407 = arith.constant 176 : index
    %swap3A_408 = tpu.vector_load %arg12[%swap3A_406, %swap3A_407] {strides = array<i32>} : memref<6x256xf32, #tpu.memory_space<vmem>>, vector<16xf32>,
    tpu.vector_store %arg12[%swap3A_406, %swap3A_407], %gather3A_404 {strides = array<i32>} : memref<6x256xf32, #tpu.memory_space<vmem>>, vector<16xf32>,
    %gather3A_409 = tpu.vector_load_idx %arg6[%get3A_398] : memref<16384xf32, #tpu.memory_space<vmem>>[vector<16xi32>], vector<16xf32>,
    %swap3A_410 = arith.constant 2 : i32
    %swap3A_411 = arith.index_cast %swap3A_410 : i32 to index
    %swap3A_412 = arith.constant 176 : index
    %swap3A_413 = tpu.vector_load %arg12[%swap3A_411, %swap3A_412] {strides = array<i32>} : memref<6x256xf32, #tpu.memory_space<vmem>>, vector<16xf32>,
    tpu.vector_store %arg12[%swap3A_411, %swap3A_412], %gather3A_409 {strides = array<i32>} : memref<6x256xf32, #tpu.memory_space<vmem>>, vector<16xf32>,
    %gather3A_414 = tpu.vector_load_idx %arg7[%get3A_398] : memref<16384xf32, #tpu.memory_space<vmem>>[vector<16xi32>], vector<16xf32>,
    %swap3A_415 = arith.constant 3 : i32
    %swap3A_416 = arith.index_cast %swap3A_415 : i32 to index
    %swap3A_417 = arith.constant 176 : index
    %swap3A_418 = tpu.vector_load %arg12[%swap3A_416, %swap3A_417] {strides = array<i32>} : memref<6x256xf32, #tpu.memory_space<vmem>>, vector<16xf32>,
    tpu.vector_store %arg12[%swap3A_416, %swap3A_417], %gather3A_414 {strides = array<i32>} : memref<6x256xf32, #tpu.memory_space<vmem>>, vector<16xf32>,
    %gather3A_419 = tpu.vector_load_idx %arg8[%get3A_398] : memref<16384xf32, #tpu.memory_space<vmem>>[vector<16xi32>], vector<16xf32>,
    %swap3A_420 = arith.constant 4 : i32
    %swap3A_421 = arith.index_cast %swap3A_420 : i32 to index
    %swap3A_422 = arith.constant 176 : index
    %swap3A_423 = tpu.vector_load %arg12[%swap3A_421, %swap3A_422] {strides = array<i32>} : memref<6x256xf32, #tpu.memory_space<vmem>>, vector<16xf32>,
    tpu.vector_store %arg12[%swap3A_421, %swap3A_422], %gather3A_419 {strides = array<i32>} : memref<6x256xf32, #tpu.memory_space<vmem>>, vector<16xf32>,
    %gather3A_424 = tpu.vector_load_idx %arg9[%get3A_398] : memref<16384xf32, #tpu.memory_space<vmem>>[vector<16xi32>], vector<16xf32>,
    %swap3A_425 = arith.constant 5 : i32
    %swap3A_426 = arith.index_cast %swap3A_425 : i32 to index
    %swap3A_427 = arith.constant 176 : index
    %swap3A_428 = tpu.vector_load %arg12[%swap3A_426, %swap3A_427] {strides = array<i32>} : memref<6x256xf32, #tpu.memory_space<vmem>>, vector<16xf32>,
    tpu.vector_store %arg12[%swap3A_426, %swap3A_427], %gather3A_424 {strides = array<i32>} : memref<6x256xf32, #tpu.memory_space<vmem>>, vector<16xf32>,
    %get3A_429 = arith.constant 192 : index
    %get3A_430 = tpu.vector_load %arg11[%get3A_429] {strides = array<i32>} : memref<256xi32, #tpu.memory_space<vmem>>, vector<16xi32>,
    %gather3A_431 = tpu.vector_load_idx %arg4[%get3A_430] : memref<16384xf32, #tpu.memory_space<vmem>>[vector<16xi32>], vector<16xf32>,
    %swap3A_432 = arith.constant 0 : i32
    %swap3A_433 = arith.index_cast %swap3A_432 : i32 to index
    %swap3A_434 = arith.constant 192 : index
    %swap3A_435 = tpu.vector_load %arg12[%swap3A_433, %swap3A_434] {strides = array<i32>} : memref<6x256xf32, #tpu.memory_space<vmem>>, vector<16xf32>,
    tpu.vector_store %arg12[%swap3A_433, %swap3A_434], %gather3A_431 {strides = array<i32>} : memref<6x256xf32, #tpu.memory_space<vmem>>, vector<16xf32>,
    %gather3A_436 = tpu.vector_load_idx %arg5[%get3A_430] : memref<16384xf32, #tpu.memory_space<vmem>>[vector<16xi32>], vector<16xf32>,
    %swap3A_437 = arith.constant 1 : i32
    %swap3A_438 = arith.index_cast %swap3A_437 : i32 to index
    %swap3A_439 = arith.constant 192 : index
    %swap3A_440 = tpu.vector_load %arg12[%swap3A_438, %swap3A_439] {strides = array<i32>} : memref<6x256xf32, #tpu.memory_space<vmem>>, vector<16xf32>,
    tpu.vector_store %arg12[%swap3A_438, %swap3A_439], %gather3A_436 {strides = array<i32>} : memref<6x256xf32, #tpu.memory_space<vmem>>, vector<16xf32>,
    %gather3A_441 = tpu.vector_load_idx %arg6[%get3A_430] : memref<16384xf32, #tpu.memory_space<vmem>>[vector<16xi32>], vector<16xf32>,
    %swap3A_442 = arith.constant 2 : i32
    %swap3A_443 = arith.index_cast %swap3A_442 : i32 to index
    %swap3A_444 = arith.constant 192 : index
    %swap3A_445 = tpu.vector_load %arg12[%swap3A_443, %swap3A_444] {strides = array<i32>} : memref<6x256xf32, #tpu.memory_space<vmem>>, vector<16xf32>,
    tpu.vector_store %arg12[%swap3A_443, %swap3A_444], %gather3A_441 {strides = array<i32>} : memref<6x256xf32, #tpu.memory_space<vmem>>, vector<16xf32>,
    %gather3A_446 = tpu.vector_load_idx %arg7[%get3A_430] : memref<16384xf32, #tpu.memory_space<vmem>>[vector<16xi32>], vector<16xf32>,
    %swap3A_447 = arith.constant 3 : i32
    %swap3A_448 = arith.index_cast %swap3A_447 : i32 to index
    %swap3A_449 = arith.constant 192 : index
    %swap3A_450 = tpu.vector_load %arg12[%swap3A_448, %swap3A_449] {strides = array<i32>} : memref<6x256xf32, #tpu.memory_space<vmem>>, vector<16xf32>,
    tpu.vector_store %arg12[%swap3A_448, %swap3A_449], %gather3A_446 {strides = array<i32>} : memref<6x256xf32, #tpu.memory_space<vmem>>, vector<16xf32>,
    %gather3A_451 = tpu.vector_load_idx %arg8[%get3A_430] : memref<16384xf32, #tpu.memory_space<vmem>>[vector<16xi32>], vector<16xf32>,
    %swap3A_452 = arith.constant 4 : i32
    %swap3A_453 = arith.index_cast %swap3A_452 : i32 to index
    %swap3A_454 = arith.constant 192 : index
    %swap3A_455 = tpu.vector_load %arg12[%swap3A_453, %swap3A_454] {strides = array<i32>} : memref<6x256xf32, #tpu.memory_space<vmem>>, vector<16xf32>,
    tpu.vector_store %arg12[%swap3A_453, %swap3A_454], %gather3A_451 {strides = array<i32>} : memref<6x256xf32, #tpu.memory_space<vmem>>, vector<16xf32>,
    %gather3A_456 = tpu.vector_load_idx %arg9[%get3A_430] : memref<16384xf32, #tpu.memory_space<vmem>>[vector<16xi32>], vector<16xf32>,
    %swap3A_457 = arith.constant 5 : i32
    %swap3A_458 = arith.index_cast %swap3A_457 : i32 to index
    %swap3A_459 = arith.constant 192 : index
    %swap3A_460 = tpu.vector_load %arg12[%swap3A_458, %swap3A_459] {strides = array<i32>} : memref<6x256xf32, #tpu.memory_space<vmem>>, vector<16xf32>,
    tpu.vector_store %arg12[%swap3A_458, %swap3A_459], %gather3A_456 {strides = array<i32>} : memref<6x256xf32, #tpu.memory_space<vmem>>, vector<16xf32>,
    %get3A_461 = arith.constant 208 : index
    %get3A_462 = tpu.vector_load %arg11[%get3A_461] {strides = array<i32>} : memref<256xi32, #tpu.memory_space<vmem>>, vector<16xi32>,
    %gather3A_463 = tpu.vector_load_idx %arg4[%get3A_462] : memref<16384xf32, #tpu.memory_space<vmem>>[vector<16xi32>], vector<16xf32>,
    %swap3A_464 = arith.constant 0 : i32
    %swap3A_465 = arith.index_cast %swap3A_464 : i32 to index
    %swap3A_466 = arith.constant 208 : index
    %swap3A_467 = tpu.vector_load %arg12[%swap3A_465, %swap3A_466] {strides = array<i32>} : memref<6x256xf32, #tpu.memory_space<vmem>>, vector<16xf32>,
    tpu.vector_store %arg12[%swap3A_465, %swap3A_466], %gather3A_463 {strides = array<i32>} : memref<6x256xf32, #tpu.memory_space<vmem>>, vector<16xf32>,
    %gather3A_468 = tpu.vector_load_idx %arg5[%get3A_462] : memref<16384xf32, #tpu.memory_space<vmem>>[vector<16xi32>], vector<16xf32>,
    %swap3A_469 = arith.constant 1 : i32
    %swap3A_470 = arith.index_cast %swap3A_469 : i32 to index
    %swap3A_471 = arith.constant 208 : index
    %swap3A_472 = tpu.vector_load %arg12[%swap3A_470, %swap3A_471] {strides = array<i32>} : memref<6x256xf32, #tpu.memory_space<vmem>>, vector<16xf32>,
    tpu.vector_store %arg12[%swap3A_470, %swap3A_471], %gather3A_468 {strides = array<i32>} : memref<6x256xf32, #tpu.memory_space<vmem>>, vector<16xf32>,
    %gather3A_473 = tpu.vector_load_idx %arg6[%get3A_462] : memref<16384xf32, #tpu.memory_space<vmem>>[vector<16xi32>], vector<16xf32>,
    %swap3A_474 = arith.constant 2 : i32
    %swap3A_475 = arith.index_cast %swap3A_474 : i32 to index
    %swap3A_476 = arith.constant 208 : index
    %swap3A_477 = tpu.vector_load %arg12[%swap3A_475, %swap3A_476] {strides = array<i32>} : memref<6x256xf32, #tpu.memory_space<vmem>>, vector<16xf32>,
    tpu.vector_store %arg12[%swap3A_475, %swap3A_476], %gather3A_473 {strides = array<i32>} : memref<6x256xf32, #tpu.memory_space<vmem>>, vector<16xf32>,
    %gather3A_478 = tpu.vector_load_idx %arg7[%get3A_462] : memref<16384xf32, #tpu.memory_space<vmem>>[vector<16xi32>], vector<16xf32>,
    %swap3A_479 = arith.constant 3 : i32
    %swap3A_480 = arith.index_cast %swap3A_479 : i32 to index
    %swap3A_481 = arith.constant 208 : index
    %swap3A_482 = tpu.vector_load %arg12[%swap3A_480, %swap3A_481] {strides = array<i32>} : memref<6x256xf32, #tpu.memory_space<vmem>>, vector<16xf32>,
    tpu.vector_store %arg12[%swap3A_480, %swap3A_481], %gather3A_478 {strides = array<i32>} : memref<6x256xf32, #tpu.memory_space<vmem>>, vector<16xf32>,
    %gather3A_483 = tpu.vector_load_idx %arg8[%get3A_462] : memref<16384xf32, #tpu.memory_space<vmem>>[vector<16xi32>], vector<16xf32>,
    %swap3A_484 = arith.constant 4 : i32
    %swap3A_485 = arith.index_cast %swap3A_484 : i32 to index
    %swap3A_486 = arith.constant 208 : index
    %swap3A_487 = tpu.vector_load %arg12[%swap3A_485, %swap3A_486] {strides = array<i32>} : memref<6x256xf32, #tpu.memory_space<vmem>>, vector<16xf32>,
    tpu.vector_store %arg12[%swap3A_485, %swap3A_486], %gather3A_483 {strides = array<i32>} : memref<6x256xf32, #tpu.memory_space<vmem>>, vector<16xf32>,
    %gather3A_488 = tpu.vector_load_idx %arg9[%get3A_462] : memref<16384xf32, #tpu.memory_space<vmem>>[vector<16xi32>], vector<16xf32>,
    %swap3A_489 = arith.constant 5 : i32
    %swap3A_490 = arith.index_cast %swap3A_489 : i32 to index
    %swap3A_491 = arith.constant 208 : index
    %swap3A_492 = tpu.vector_load %arg12[%swap3A_490, %swap3A_491] {strides = array<i32>} : memref<6x256xf32, #tpu.memory_space<vmem>>, vector<16xf32>,
    tpu.vector_store %arg12[%swap3A_490, %swap3A_491], %gather3A_488 {strides = array<i32>} : memref<6x256xf32, #tpu.memory_space<vmem>>, vector<16xf32>,
    %get3A_493 = arith.constant 224 : index
    %get3A_494 = tpu.vector_load %arg11[%get3A_493] {strides = array<i32>} : memref<256xi32, #tpu.memory_space<vmem>>, vector<16xi32>,
    %gather3A_495 = tpu.vector_load_idx %arg4[%get3A_494] : memref<16384xf32, #tpu.memory_space<vmem>>[vector<16xi32>], vector<16xf32>,
    %swap3A_496 = arith.constant 0 : i32
    %swap3A_497 = arith.index_cast %swap3A_496 : i32 to index
    %swap3A_498 = arith.constant 224 : index
    %swap3A_499 = tpu.vector_load %arg12[%swap3A_497, %swap3A_498] {strides = array<i32>} : memref<6x256xf32, #tpu.memory_space<vmem>>, vector<16xf32>,
    tpu.vector_store %arg12[%swap3A_497, %swap3A_498], %gather3A_495 {strides = array<i32>} : memref<6x256xf32, #tpu.memory_space<vmem>>, vector<16xf32>,
    %gather3A_500 = tpu.vector_load_idx %arg5[%get3A_494] : memref<16384xf32, #tpu.memory_space<vmem>>[vector<16xi32>], vector<16xf32>,
    %swap3A_501 = arith.constant 1 : i32
    %swap3A_502 = arith.index_cast %swap3A_501 : i32 to index
    %swap3A_503 = arith.constant 224 : index
    %swap3A_504 = tpu.vector_load %arg12[%swap3A_502, %swap3A_503] {strides = array<i32>} : memref<6x256xf32, #tpu.memory_space<vmem>>, vector<16xf32>,
    tpu.vector_store %arg12[%swap3A_502, %swap3A_503], %gather3A_500 {strides = array<i32>} : memref<6x256xf32, #tpu.memory_space<vmem>>, vector<16xf32>,
    %gather3A_505 = tpu.vector_load_idx %arg6[%get3A_494] : memref<16384xf32, #tpu.memory_space<vmem>>[vector<16xi32>], vector<16xf32>,
    %swap3A_506 = arith.constant 2 : i32
    %swap3A_507 = arith.index_cast %swap3A_506 : i32 to index
    %swap3A_508 = arith.constant 224 : index
    %swap3A_509 = tpu.vector_load %arg12[%swap3A_507, %swap3A_508] {strides = array<i32>} : memref<6x256xf32, #tpu.memory_space<vmem>>, vector<16xf32>,
    tpu.vector_store %arg12[%swap3A_507, %swap3A_508], %gather3A_505 {strides = array<i32>} : memref<6x256xf32, #tpu.memory_space<vmem>>, vector<16xf32>,
    %gather3A_510 = tpu.vector_load_idx %arg7[%get3A_494] : memref<16384xf32, #tpu.memory_space<vmem>>[vector<16xi32>], vector<16xf32>,
    %swap3A_511 = arith.constant 3 : i32
    %swap3A_512 = arith.index_cast %swap3A_511 : i32 to index
    %swap3A_513 = arith.constant 224 : index
    %swap3A_514 = tpu.vector_load %arg12[%swap3A_512, %swap3A_513] {strides = array<i32>} : memref<6x256xf32, #tpu.memory_space<vmem>>, vector<16xf32>,
    tpu.vector_store %arg12[%swap3A_512, %swap3A_513], %gather3A_510 {strides = array<i32>} : memref<6x256xf32, #tpu.memory_space<vmem>>, vector<16xf32>,
    %gather3A_515 = tpu.vector_load_idx %arg8[%get3A_494] : memref<16384xf32, #tpu.memory_space<vmem>>[vector<16xi32>], vector<16xf32>,
    %swap3A_516 = arith.constant 4 : i32
    %swap3A_517 = arith.index_cast %swap3A_516 : i32 to index
    %swap3A_518 = arith.constant 224 : index
    %swap3A_519 = tpu.vector_load %arg12[%swap3A_517, %swap3A_518] {strides = array<i32>} : memref<6x256xf32, #tpu.memory_space<vmem>>, vector<16xf32>,
    tpu.vector_store %arg12[%swap3A_517, %swap3A_518], %gather3A_515 {strides = array<i32>} : memref<6x256xf32, #tpu.memory_space<vmem>>, vector<16xf32>,
    %gather3A_520 = tpu.vector_load_idx %arg9[%get3A_494] : memref<16384xf32, #tpu.memory_space<vmem>>[vector<16xi32>], vector<16xf32>,
    %swap3A_521 = arith.constant 5 : i32
    %swap3A_522 = arith.index_cast %swap3A_521 : i32 to index
    %swap3A_523 = arith.constant 224 : index
    %swap3A_524 = tpu.vector_load %arg12[%swap3A_522, %swap3A_523] {strides = array<i32>} : memref<6x256xf32, #tpu.memory_space<vmem>>, vector<16xf32>,
    tpu.vector_store %arg12[%swap3A_522, %swap3A_523], %gather3A_520 {strides = array<i32>} : memref<6x256xf32, #tpu.memory_space<vmem>>, vector<16xf32>,
    %get3A_525 = arith.constant 240 : index
    %get3A_526 = tpu.vector_load %arg11[%get3A_525] {strides = array<i32>} : memref<256xi32, #tpu.memory_space<vmem>>, vector<16xi32>,
    %gather3A_527 = tpu.vector_load_idx %arg4[%get3A_526] : memref<16384xf32, #tpu.memory_space<vmem>>[vector<16xi32>], vector<16xf32>,
    %swap3A_528 = arith.constant 0 : i32
    %swap3A_529 = arith.index_cast %swap3A_528 : i32 to index
    %swap3A_530 = arith.constant 240 : index
    %swap3A_531 = tpu.vector_load %arg12[%swap3A_529, %swap3A_530] {strides = array<i32>} : memref<6x256xf32, #tpu.memory_space<vmem>>, vector<16xf32>,
    tpu.vector_store %arg12[%swap3A_529, %swap3A_530], %gather3A_527 {strides = array<i32>} : memref<6x256xf32, #tpu.memory_space<vmem>>, vector<16xf32>,
    %gather3A_532 = tpu.vector_load_idx %arg5[%get3A_526] : memref<16384xf32, #tpu.memory_space<vmem>>[vector<16xi32>], vector<16xf32>,
    %swap3A_533 = arith.constant 1 : i32
    %swap3A_534 = arith.index_cast %swap3A_533 : i32 to index
    %swap3A_535 = arith.constant 240 : index
    %swap3A_536 = tpu.vector_load %arg12[%swap3A_534, %swap3A_535] {strides = array<i32>} : memref<6x256xf32, #tpu.memory_space<vmem>>, vector<16xf32>,
    tpu.vector_store %arg12[%swap3A_534, %swap3A_535], %gather3A_532 {strides = array<i32>} : memref<6x256xf32, #tpu.memory_space<vmem>>, vector<16xf32>,
    %gather3A_537 = tpu.vector_load_idx %arg6[%get3A_526] : memref<16384xf32, #tpu.memory_space<vmem>>[vector<16xi32>], vector<16xf32>,
    %swap3A_538 = arith.constant 2 : i32
    %swap3A_539 = arith.index_cast %swap3A_538 : i32 to index
    %swap3A_540 = arith.constant 240 : index
    %swap3A_541 = tpu.vector_load %arg12[%swap3A_539, %swap3A_540] {strides = array<i32>} : memref<6x256xf32, #tpu.memory_space<vmem>>, vector<16xf32>,
    tpu.vector_store %arg12[%swap3A_539, %swap3A_540], %gather3A_537 {strides = array<i32>} : memref<6x256xf32, #tpu.memory_space<vmem>>, vector<16xf32>,
    %gather3A_542 = tpu.vector_load_idx %arg7[%get3A_526] : memref<16384xf32, #tpu.memory_space<vmem>>[vector<16xi32>], vector<16xf32>,
    %swap3A_543 = arith.constant 3 : i32
    %swap3A_544 = arith.index_cast %swap3A_543 : i32 to index
    %swap3A_545 = arith.constant 240 : index
    %swap3A_546 = tpu.vector_load %arg12[%swap3A_544, %swap3A_545] {strides = array<i32>} : memref<6x256xf32, #tpu.memory_space<vmem>>, vector<16xf32>,
    tpu.vector_store %arg12[%swap3A_544, %swap3A_545], %gather3A_542 {strides = array<i32>} : memref<6x256xf32, #tpu.memory_space<vmem>>, vector<16xf32>,
    %gather3A_547 = tpu.vector_load_idx %arg8[%get3A_526] : memref<16384xf32, #tpu.memory_space<vmem>>[vector<16xi32>], vector<16xf32>,
    %swap3A_548 = arith.constant 4 : i32
    %swap3A_549 = arith.index_cast %swap3A_548 : i32 to index
    %swap3A_550 = arith.constant 240 : index
    %swap3A_551 = tpu.vector_load %arg12[%swap3A_549, %swap3A_550] {strides = array<i32>} : memref<6x256xf32, #tpu.memory_space<vmem>>, vector<16xf32>,
    tpu.vector_store %arg12[%swap3A_549, %swap3A_550], %gather3A_547 {strides = array<i32>} : memref<6x256xf32, #tpu.memory_space<vmem>>, vector<16xf32>,
    %gather3A_552 = tpu.vector_load_idx %arg9[%get3A_526] : memref<16384xf32, #tpu.memory_space<vmem>>[vector<16xi32>], vector<16xf32>,
    %swap3A_553 = arith.constant 5 : i32
    %swap3A_554 = arith.index_cast %swap3A_553 : i32 to index
    %swap3A_555 = arith.constant 240 : index
    %swap3A_556 = tpu.vector_load %arg12[%swap3A_554, %swap3A_555] {strides = array<i32>} : memref<6x256xf32, #tpu.memory_space<vmem>>, vector<16xf32>,
    tpu.vector_store %arg12[%swap3A_554, %swap3A_555], %gather3A_552 {strides = array<i32>} : memref<6x256xf32, #tpu.memory_space<vmem>>, vector<16xf32>,
    %mul3A_557 = arith.constant 256 : i32
    %mul3A_558 = arith.muli %select_n3A_28, %mul3A_557 : i32
    %run_scoped3A_559 = arith.constant 0 : i32
    %run_scoped3A_560 = arith.constant 0 : i32
    "tpu.region"() ({
      %run_scoped3A_581 = tpu.sem_alloc : memref<!tpu.dma_semaphore, #tpu.memory_space<semaphore_mem>>
      %dma_start3A = arith.constant 0 : i32
      %dma_start3A_582 = tpu.memref_slice %arg12[%run_scoped3A_559, %dma_start3A] : memref<6x256xf32, #tpu.memory_space<vmem>> -> memref<1x256xf32, #tpu.memory_space<vmem>>
      %dma_start3A_583 = tpu.memref_squeeze %dma_start3A_582 : memref<1x256xf32, #tpu.memory_space<vmem>> -> memref<256xf32, #tpu.memory_space<vmem>>
      %dma_start3A_584 = tpu.memref_slice %arg3[%add3A_30, %run_scoped3A_560, %mul3A_558] : memref<8x6x1024xf32, #tpu.memory_space<hbm>> -> memref<1x1x256xf32, #tpu.memory_space<hbm>>
      %dma_start3A_585 = tpu.memref_squeeze %dma_start3A_584 : memref<1x1x256xf32, #tpu.memory_space<hbm>> -> memref<256xf32, #tpu.memory_space<hbm>>
      %dma_start3A_586 = tpu.memref_slice %arg3[%add3A_30, %run_scoped3A_560, %mul3A_558] : memref<8x6x1024xf32, #tpu.memory_space<hbm>> -> memref<1x1x256xf32, #tpu.memory_space<hbm>>
      %dma_start3A_587 = tpu.memref_squeeze %dma_start3A_586 : memref<1x1x256xf32, #tpu.memory_space<hbm>> -> memref<256xf32, #tpu.memory_space<hbm>>
      %dma_start3A_588 = arith.constant 0 : i32
      %dma_start3A_589 = tpu.memref_slice %arg12[%run_scoped3A_559, %dma_start3A_588] : memref<6x256xf32, #tpu.memory_space<vmem>> -> memref<1x256xf32, #tpu.memory_space<vmem>>
      %dma_start3A_590 = tpu.memref_squeeze %dma_start3A_589 : memref<1x256xf32, #tpu.memory_space<vmem>> -> memref<256xf32, #tpu.memory_space<vmem>>
      tpu.enqueue_dma source(%dma_start3A_590 : memref<256xf32, #tpu.memory_space<vmem>>) target(%dma_start3A_587 : memref<256xf32, #tpu.memory_space<hbm>>) target_semaphore(%run_scoped3A_581 : memref<!tpu.dma_semaphore, #tpu.memory_space<semaphore_mem>>)
      %dma_wait3A = arith.constant 0 : i32
      %dma_wait3A_591 = tpu.memref_slice %arg12[%run_scoped3A_559, %dma_wait3A] : memref<6x256xf32, #tpu.memory_space<vmem>> -> memref<1x256xf32, #tpu.memory_space<vmem>>
      %dma_wait3A_592 = tpu.memref_squeeze %dma_wait3A_591 : memref<1x256xf32, #tpu.memory_space<vmem>> -> memref<256xf32, #tpu.memory_space<vmem>>
      %dma_wait3A_593 = tpu.memref_slice %arg3[%add3A_30, %run_scoped3A_560, %mul3A_558] : memref<8x6x1024xf32, #tpu.memory_space<hbm>> -> memref<1x1x256xf32, #tpu.memory_space<hbm>>
      %dma_wait3A_594 = tpu.memref_squeeze %dma_wait3A_593 : memref<1x1x256xf32, #tpu.memory_space<hbm>> -> memref<256xf32, #tpu.memory_space<hbm>>
      %dma_wait3A_595 = tpu.memref_slice %arg3[%add3A_30, %run_scoped3A_560, %mul3A_558] : memref<8x6x1024xf32, #tpu.memory_space<hbm>> -> memref<1x1x256xf32, #tpu.memory_space<hbm>>
      %dma_wait3A_596 = tpu.memref_squeeze %dma_wait3A_595 : memref<1x1x256xf32, #tpu.memory_space<hbm>> -> memref<256xf32, #tpu.memory_space<hbm>>
      %dma_wait3A_597 = arith.constant 0 : i32
      %dma_wait3A_598 = tpu.memref_slice %arg12[%run_scoped3A_559, %dma_wait3A_597] : memref<6x256xf32, #tpu.memory_space<vmem>> -> memref<1x256xf32, #tpu.memory_space<vmem>>
      %dma_wait3A_599 = tpu.memref_squeeze %dma_wait3A_598 : memref<1x256xf32, #tpu.memory_space<vmem>> -> memref<256xf32, #tpu.memory_space<vmem>>
      tpu.wait_dma2 semaphore(%run_scoped3A_581 : memref<!tpu.dma_semaphore, #tpu.memory_space<semaphore_mem>>) src(%dma_wait3A_599 : memref<256xf32, #tpu.memory_space<vmem>>) dst(%dma_wait3A_596 : memref<256xf32, #tpu.memory_space<hbm>>)
      tpu.yield
    }) : () -> ()
    %mul3A_561 = arith.constant 256 : i32
    %mul3A_562 = arith.muli %select_n3A_28, %mul3A_561 : i32
    %run_scoped3A_563 = arith.constant 1 : i32
    %run_scoped3A_564 = arith.constant 1 : i32
    "tpu.region"() ({
      %run_scoped3A_581 = tpu.sem_alloc : memref<!tpu.dma_semaphore, #tpu.memory_space<semaphore_mem>>
      %dma_start3A = arith.constant 0 : i32
      %dma_start3A_582 = tpu.memref_slice %arg12[%run_scoped3A_563, %dma_start3A] : memref<6x256xf32, #tpu.memory_space<vmem>> -> memref<1x256xf32, #tpu.memory_space<vmem>>
      %dma_start3A_583 = tpu.memref_squeeze %dma_start3A_582 : memref<1x256xf32, #tpu.memory_space<vmem>> -> memref<256xf32, #tpu.memory_space<vmem>>
      %dma_start3A_584 = tpu.memref_slice %arg3[%add3A_30, %run_scoped3A_564, %mul3A_562] : memref<8x6x1024xf32, #tpu.memory_space<hbm>> -> memref<1x1x256xf32, #tpu.memory_space<hbm>>
      %dma_start3A_585 = tpu.memref_squeeze %dma_start3A_584 : memref<1x1x256xf32, #tpu.memory_space<hbm>> -> memref<256xf32, #tpu.memory_space<hbm>>
      %dma_start3A_586 = tpu.memref_slice %arg3[%add3A_30, %run_scoped3A_564, %mul3A_562] : memref<8x6x1024xf32, #tpu.memory_space<hbm>> -> memref<1x1x256xf32, #tpu.memory_space<hbm>>
      %dma_start3A_587 = tpu.memref_squeeze %dma_start3A_586 : memref<1x1x256xf32, #tpu.memory_space<hbm>> -> memref<256xf32, #tpu.memory_space<hbm>>
      %dma_start3A_588 = arith.constant 0 : i32
      %dma_start3A_589 = tpu.memref_slice %arg12[%run_scoped3A_563, %dma_start3A_588] : memref<6x256xf32, #tpu.memory_space<vmem>> -> memref<1x256xf32, #tpu.memory_space<vmem>>
      %dma_start3A_590 = tpu.memref_squeeze %dma_start3A_589 : memref<1x256xf32, #tpu.memory_space<vmem>> -> memref<256xf32, #tpu.memory_space<vmem>>
      tpu.enqueue_dma source(%dma_start3A_590 : memref<256xf32, #tpu.memory_space<vmem>>) target(%dma_start3A_587 : memref<256xf32, #tpu.memory_space<hbm>>) target_semaphore(%run_scoped3A_581 : memref<!tpu.dma_semaphore, #tpu.memory_space<semaphore_mem>>)
      %dma_wait3A = arith.constant 0 : i32
      %dma_wait3A_591 = tpu.memref_slice %arg12[%run_scoped3A_563, %dma_wait3A] : memref<6x256xf32, #tpu.memory_space<vmem>> -> memref<1x256xf32, #tpu.memory_space<vmem>>
      %dma_wait3A_592 = tpu.memref_squeeze %dma_wait3A_591 : memref<1x256xf32, #tpu.memory_space<vmem>> -> memref<256xf32, #tpu.memory_space<vmem>>
      %dma_wait3A_593 = tpu.memref_slice %arg3[%add3A_30, %run_scoped3A_564, %mul3A_562] : memref<8x6x1024xf32, #tpu.memory_space<hbm>> -> memref<1x1x256xf32, #tpu.memory_space<hbm>>
      %dma_wait3A_594 = tpu.memref_squeeze %dma_wait3A_593 : memref<1x1x256xf32, #tpu.memory_space<hbm>> -> memref<256xf32, #tpu.memory_space<hbm>>
      %dma_wait3A_595 = tpu.memref_slice %arg3[%add3A_30, %run_scoped3A_564, %mul3A_562] : memref<8x6x1024xf32, #tpu.memory_space<hbm>> -> memref<1x1x256xf32, #tpu.memory_space<hbm>>
      %dma_wait3A_596 = tpu.memref_squeeze %dma_wait3A_595 : memref<1x1x256xf32, #tpu.memory_space<hbm>> -> memref<256xf32, #tpu.memory_space<hbm>>
      %dma_wait3A_597 = arith.constant 0 : i32
      %dma_wait3A_598 = tpu.memref_slice %arg12[%run_scoped3A_563, %dma_wait3A_597] : memref<6x256xf32, #tpu.memory_space<vmem>> -> memref<1x256xf32, #tpu.memory_space<vmem>>
      %dma_wait3A_599 = tpu.memref_squeeze %dma_wait3A_598 : memref<1x256xf32, #tpu.memory_space<vmem>> -> memref<256xf32, #tpu.memory_space<vmem>>
      tpu.wait_dma2 semaphore(%run_scoped3A_581 : memref<!tpu.dma_semaphore, #tpu.memory_space<semaphore_mem>>) src(%dma_wait3A_599 : memref<256xf32, #tpu.memory_space<vmem>>) dst(%dma_wait3A_596 : memref<256xf32, #tpu.memory_space<hbm>>)
      tpu.yield
    }) : () -> ()
    %mul3A_565 = arith.constant 256 : i32
    %mul3A_566 = arith.muli %select_n3A_28, %mul3A_565 : i32
    %run_scoped3A_567 = arith.constant 2 : i32
    %run_scoped3A_568 = arith.constant 2 : i32
    "tpu.region"() ({
      %run_scoped3A_581 = tpu.sem_alloc : memref<!tpu.dma_semaphore, #tpu.memory_space<semaphore_mem>>
      %dma_start3A = arith.constant 0 : i32
      %dma_start3A_582 = tpu.memref_slice %arg12[%run_scoped3A_567, %dma_start3A] : memref<6x256xf32, #tpu.memory_space<vmem>> -> memref<1x256xf32, #tpu.memory_space<vmem>>
      %dma_start3A_583 = tpu.memref_squeeze %dma_start3A_582 : memref<1x256xf32, #tpu.memory_space<vmem>> -> memref<256xf32, #tpu.memory_space<vmem>>
      %dma_start3A_584 = tpu.memref_slice %arg3[%add3A_30, %run_scoped3A_568, %mul3A_566] : memref<8x6x1024xf32, #tpu.memory_space<hbm>> -> memref<1x1x256xf32, #tpu.memory_space<hbm>>
      %dma_start3A_585 = tpu.memref_squeeze %dma_start3A_584 : memref<1x1x256xf32, #tpu.memory_space<hbm>> -> memref<256xf32, #tpu.memory_space<hbm>>
      %dma_start3A_586 = tpu.memref_slice %arg3[%add3A_30, %run_scoped3A_568, %mul3A_566] : memref<8x6x1024xf32, #tpu.memory_space<hbm>> -> memref<1x1x256xf32, #tpu.memory_space<hbm>>
      %dma_start3A_587 = tpu.memref_squeeze %dma_start3A_586 : memref<1x1x256xf32, #tpu.memory_space<hbm>> -> memref<256xf32, #tpu.memory_space<hbm>>
      %dma_start3A_588 = arith.constant 0 : i32
      %dma_start3A_589 = tpu.memref_slice %arg12[%run_scoped3A_567, %dma_start3A_588] : memref<6x256xf32, #tpu.memory_space<vmem>> -> memref<1x256xf32, #tpu.memory_space<vmem>>
      %dma_start3A_590 = tpu.memref_squeeze %dma_start3A_589 : memref<1x256xf32, #tpu.memory_space<vmem>> -> memref<256xf32, #tpu.memory_space<vmem>>
      tpu.enqueue_dma source(%dma_start3A_590 : memref<256xf32, #tpu.memory_space<vmem>>) target(%dma_start3A_587 : memref<256xf32, #tpu.memory_space<hbm>>) target_semaphore(%run_scoped3A_581 : memref<!tpu.dma_semaphore, #tpu.memory_space<semaphore_mem>>)
      %dma_wait3A = arith.constant 0 : i32
      %dma_wait3A_591 = tpu.memref_slice %arg12[%run_scoped3A_567, %dma_wait3A] : memref<6x256xf32, #tpu.memory_space<vmem>> -> memref<1x256xf32, #tpu.memory_space<vmem>>
      %dma_wait3A_592 = tpu.memref_squeeze %dma_wait3A_591 : memref<1x256xf32, #tpu.memory_space<vmem>> -> memref<256xf32, #tpu.memory_space<vmem>>
      %dma_wait3A_593 = tpu.memref_slice %arg3[%add3A_30, %run_scoped3A_568, %mul3A_566] : memref<8x6x1024xf32, #tpu.memory_space<hbm>> -> memref<1x1x256xf32, #tpu.memory_space<hbm>>
      %dma_wait3A_594 = tpu.memref_squeeze %dma_wait3A_593 : memref<1x1x256xf32, #tpu.memory_space<hbm>> -> memref<256xf32, #tpu.memory_space<hbm>>
      %dma_wait3A_595 = tpu.memref_slice %arg3[%add3A_30, %run_scoped3A_568, %mul3A_566] : memref<8x6x1024xf32, #tpu.memory_space<hbm>> -> memref<1x1x256xf32, #tpu.memory_space<hbm>>
      %dma_wait3A_596 = tpu.memref_squeeze %dma_wait3A_595 : memref<1x1x256xf32, #tpu.memory_space<hbm>> -> memref<256xf32, #tpu.memory_space<hbm>>
      %dma_wait3A_597 = arith.constant 0 : i32
      %dma_wait3A_598 = tpu.memref_slice %arg12[%run_scoped3A_567, %dma_wait3A_597] : memref<6x256xf32, #tpu.memory_space<vmem>> -> memref<1x256xf32, #tpu.memory_space<vmem>>
      %dma_wait3A_599 = tpu.memref_squeeze %dma_wait3A_598 : memref<1x256xf32, #tpu.memory_space<vmem>> -> memref<256xf32, #tpu.memory_space<vmem>>
      tpu.wait_dma2 semaphore(%run_scoped3A_581 : memref<!tpu.dma_semaphore, #tpu.memory_space<semaphore_mem>>) src(%dma_wait3A_599 : memref<256xf32, #tpu.memory_space<vmem>>) dst(%dma_wait3A_596 : memref<256xf32, #tpu.memory_space<hbm>>)
      tpu.yield
    }) : () -> ()
    %mul3A_569 = arith.constant 256 : i32
    %mul3A_570 = arith.muli %select_n3A_28, %mul3A_569 : i32
    %run_scoped3A_571 = arith.constant 3 : i32
    %run_scoped3A_572 = arith.constant 3 : i32
    "tpu.region"() ({
      %run_scoped3A_581 = tpu.sem_alloc : memref<!tpu.dma_semaphore, #tpu.memory_space<semaphore_mem>>
      %dma_start3A = arith.constant 0 : i32
      %dma_start3A_582 = tpu.memref_slice %arg12[%run_scoped3A_571, %dma_start3A] : memref<6x256xf32, #tpu.memory_space<vmem>> -> memref<1x256xf32, #tpu.memory_space<vmem>>
      %dma_start3A_583 = tpu.memref_squeeze %dma_start3A_582 : memref<1x256xf32, #tpu.memory_space<vmem>> -> memref<256xf32, #tpu.memory_space<vmem>>
      %dma_start3A_584 = tpu.memref_slice %arg3[%add3A_30, %run_scoped3A_572, %mul3A_570] : memref<8x6x1024xf32, #tpu.memory_space<hbm>> -> memref<1x1x256xf32, #tpu.memory_space<hbm>>
      %dma_start3A_585 = tpu.memref_squeeze %dma_start3A_584 : memref<1x1x256xf32, #tpu.memory_space<hbm>> -> memref<256xf32, #tpu.memory_space<hbm>>
      %dma_start3A_586 = tpu.memref_slice %arg3[%add3A_30, %run_scoped3A_572, %mul3A_570] : memref<8x6x1024xf32, #tpu.memory_space<hbm>> -> memref<1x1x256xf32, #tpu.memory_space<hbm>>
      %dma_start3A_587 = tpu.memref_squeeze %dma_start3A_586 : memref<1x1x256xf32, #tpu.memory_space<hbm>> -> memref<256xf32, #tpu.memory_space<hbm>>
      %dma_start3A_588 = arith.constant 0 : i32
      %dma_start3A_589 = tpu.memref_slice %arg12[%run_scoped3A_571, %dma_start3A_588] : memref<6x256xf32, #tpu.memory_space<vmem>> -> memref<1x256xf32, #tpu.memory_space<vmem>>
      %dma_start3A_590 = tpu.memref_squeeze %dma_start3A_589 : memref<1x256xf32, #tpu.memory_space<vmem>> -> memref<256xf32, #tpu.memory_space<vmem>>
      tpu.enqueue_dma source(%dma_start3A_590 : memref<256xf32, #tpu.memory_space<vmem>>) target(%dma_start3A_587 : memref<256xf32, #tpu.memory_space<hbm>>) target_semaphore(%run_scoped3A_581 : memref<!tpu.dma_semaphore, #tpu.memory_space<semaphore_mem>>)
      %dma_wait3A = arith.constant 0 : i32
      %dma_wait3A_591 = tpu.memref_slice %arg12[%run_scoped3A_571, %dma_wait3A] : memref<6x256xf32, #tpu.memory_space<vmem>> -> memref<1x256xf32, #tpu.memory_space<vmem>>
      %dma_wait3A_592 = tpu.memref_squeeze %dma_wait3A_591 : memref<1x256xf32, #tpu.memory_space<vmem>> -> memref<256xf32, #tpu.memory_space<vmem>>
      %dma_wait3A_593 = tpu.memref_slice %arg3[%add3A_30, %run_scoped3A_572, %mul3A_570] : memref<8x6x1024xf32, #tpu.memory_space<hbm>> -> memref<1x1x256xf32, #tpu.memory_space<hbm>>
      %dma_wait3A_594 = tpu.memref_squeeze %dma_wait3A_593 : memref<1x1x256xf32, #tpu.memory_space<hbm>> -> memref<256xf32, #tpu.memory_space<hbm>>
      %dma_wait3A_595 = tpu.memref_slice %arg3[%add3A_30, %run_scoped3A_572, %mul3A_570] : memref<8x6x1024xf32, #tpu.memory_space<hbm>> -> memref<1x1x256xf32, #tpu.memory_space<hbm>>
      %dma_wait3A_596 = tpu.memref_squeeze %dma_wait3A_595 : memref<1x1x256xf32, #tpu.memory_space<hbm>> -> memref<256xf32, #tpu.memory_space<hbm>>
      %dma_wait3A_597 = arith.constant 0 : i32
      %dma_wait3A_598 = tpu.memref_slice %arg12[%run_scoped3A_571, %dma_wait3A_597] : memref<6x256xf32, #tpu.memory_space<vmem>> -> memref<1x256xf32, #tpu.memory_space<vmem>>
      %dma_wait3A_599 = tpu.memref_squeeze %dma_wait3A_598 : memref<1x256xf32, #tpu.memory_space<vmem>> -> memref<256xf32, #tpu.memory_space<vmem>>
      tpu.wait_dma2 semaphore(%run_scoped3A_581 : memref<!tpu.dma_semaphore, #tpu.memory_space<semaphore_mem>>) src(%dma_wait3A_599 : memref<256xf32, #tpu.memory_space<vmem>>) dst(%dma_wait3A_596 : memref<256xf32, #tpu.memory_space<hbm>>)
      tpu.yield
    }) : () -> ()
    %mul3A_573 = arith.constant 256 : i32
    %mul3A_574 = arith.muli %select_n3A_28, %mul3A_573 : i32
    %run_scoped3A_575 = arith.constant 4 : i32
    %run_scoped3A_576 = arith.constant 4 : i32
    "tpu.region"() ({
      %run_scoped3A_581 = tpu.sem_alloc : memref<!tpu.dma_semaphore, #tpu.memory_space<semaphore_mem>>
      %dma_start3A = arith.constant 0 : i32
      %dma_start3A_582 = tpu.memref_slice %arg12[%run_scoped3A_575, %dma_start3A] : memref<6x256xf32, #tpu.memory_space<vmem>> -> memref<1x256xf32, #tpu.memory_space<vmem>>
      %dma_start3A_583 = tpu.memref_squeeze %dma_start3A_582 : memref<1x256xf32, #tpu.memory_space<vmem>> -> memref<256xf32, #tpu.memory_space<vmem>>
      %dma_start3A_584 = tpu.memref_slice %arg3[%add3A_30, %run_scoped3A_576, %mul3A_574] : memref<8x6x1024xf32, #tpu.memory_space<hbm>> -> memref<1x1x256xf32, #tpu.memory_space<hbm>>
      %dma_start3A_585 = tpu.memref_squeeze %dma_start3A_584 : memref<1x1x256xf32, #tpu.memory_space<hbm>> -> memref<256xf32, #tpu.memory_space<hbm>>
      %dma_start3A_586 = tpu.memref_slice %arg3[%add3A_30, %run_scoped3A_576, %mul3A_574] : memref<8x6x1024xf32, #tpu.memory_space<hbm>> -> memref<1x1x256xf32, #tpu.memory_space<hbm>>
      %dma_start3A_587 = tpu.memref_squeeze %dma_start3A_586 : memref<1x1x256xf32, #tpu.memory_space<hbm>> -> memref<256xf32, #tpu.memory_space<hbm>>
      %dma_start3A_588 = arith.constant 0 : i32
      %dma_start3A_589 = tpu.memref_slice %arg12[%run_scoped3A_575, %dma_start3A_588] : memref<6x256xf32, #tpu.memory_space<vmem>> -> memref<1x256xf32, #tpu.memory_space<vmem>>
      %dma_start3A_590 = tpu.memref_squeeze %dma_start3A_589 : memref<1x256xf32, #tpu.memory_space<vmem>> -> memref<256xf32, #tpu.memory_space<vmem>>
      tpu.enqueue_dma source(%dma_start3A_590 : memref<256xf32, #tpu.memory_space<vmem>>) target(%dma_start3A_587 : memref<256xf32, #tpu.memory_space<hbm>>) target_semaphore(%run_scoped3A_581 : memref<!tpu.dma_semaphore, #tpu.memory_space<semaphore_mem>>)
      %dma_wait3A = arith.constant 0 : i32
      %dma_wait3A_591 = tpu.memref_slice %arg12[%run_scoped3A_575, %dma_wait3A] : memref<6x256xf32, #tpu.memory_space<vmem>> -> memref<1x256xf32, #tpu.memory_space<vmem>>
      %dma_wait3A_592 = tpu.memref_squeeze %dma_wait3A_591 : memref<1x256xf32, #tpu.memory_space<vmem>> -> memref<256xf32, #tpu.memory_space<vmem>>
      %dma_wait3A_593 = tpu.memref_slice %arg3[%add3A_30, %run_scoped3A_576, %mul3A_574] : memref<8x6x1024xf32, #tpu.memory_space<hbm>> -> memref<1x1x256xf32, #tpu.memory_space<hbm>>
      %dma_wait3A_594 = tpu.memref_squeeze %dma_wait3A_593 : memref<1x1x256xf32, #tpu.memory_space<hbm>> -> memref<256xf32, #tpu.memory_space<hbm>>
      %dma_wait3A_595 = tpu.memref_slice %arg3[%add3A_30, %run_scoped3A_576, %mul3A_574] : memref<8x6x1024xf32, #tpu.memory_space<hbm>> -> memref<1x1x256xf32, #tpu.memory_space<hbm>>
      %dma_wait3A_596 = tpu.memref_squeeze %dma_wait3A_595 : memref<1x1x256xf32, #tpu.memory_space<hbm>> -> memref<256xf32, #tpu.memory_space<hbm>>
      %dma_wait3A_597 = arith.constant 0 : i32
      %dma_wait3A_598 = tpu.memref_slice %arg12[%run_scoped3A_575, %dma_wait3A_597] : memref<6x256xf32, #tpu.memory_space<vmem>> -> memref<1x256xf32, #tpu.memory_space<vmem>>
      %dma_wait3A_599 = tpu.memref_squeeze %dma_wait3A_598 : memref<1x256xf32, #tpu.memory_space<vmem>> -> memref<256xf32, #tpu.memory_space<vmem>>
      tpu.wait_dma2 semaphore(%run_scoped3A_581 : memref<!tpu.dma_semaphore, #tpu.memory_space<semaphore_mem>>) src(%dma_wait3A_599 : memref<256xf32, #tpu.memory_space<vmem>>) dst(%dma_wait3A_596 : memref<256xf32, #tpu.memory_space<hbm>>)
      tpu.yield
    }) : () -> ()
    %mul3A_577 = arith.constant 256 : i32
    %mul3A_578 = arith.muli %select_n3A_28, %mul3A_577 : i32
    %run_scoped3A_579 = arith.constant 5 : i32
    %run_scoped3A_580 = arith.constant 5 : i32
    "tpu.region"() ({
      %run_scoped3A_581 = tpu.sem_alloc : memref<!tpu.dma_semaphore, #tpu.memory_space<semaphore_mem>>
      %dma_start3A = arith.constant 0 : i32
      %dma_start3A_582 = tpu.memref_slice %arg12[%run_scoped3A_579, %dma_start3A] : memref<6x256xf32, #tpu.memory_space<vmem>> -> memref<1x256xf32, #tpu.memory_space<vmem>>
      %dma_start3A_583 = tpu.memref_squeeze %dma_start3A_582 : memref<1x256xf32, #tpu.memory_space<vmem>> -> memref<256xf32, #tpu.memory_space<vmem>>
      %dma_start3A_584 = tpu.memref_slice %arg3[%add3A_30, %run_scoped3A_580, %mul3A_578] : memref<8x6x1024xf32, #tpu.memory_space<hbm>> -> memref<1x1x256xf32, #tpu.memory_space<hbm>>
      %dma_start3A_585 = tpu.memref_squeeze %dma_start3A_584 : memref<1x1x256xf32, #tpu.memory_space<hbm>> -> memref<256xf32, #tpu.memory_space<hbm>>
      %dma_start3A_586 = tpu.memref_slice %arg3[%add3A_30, %run_scoped3A_580, %mul3A_578] : memref<8x6x1024xf32, #tpu.memory_space<hbm>> -> memref<1x1x256xf32, #tpu.memory_space<hbm>>
      %dma_start3A_587 = tpu.memref_squeeze %dma_start3A_586 : memref<1x1x256xf32, #tpu.memory_space<hbm>> -> memref<256xf32, #tpu.memory_space<hbm>>
      %dma_start3A_588 = arith.constant 0 : i32
      %dma_start3A_589 = tpu.memref_slice %arg12[%run_scoped3A_579, %dma_start3A_588] : memref<6x256xf32, #tpu.memory_space<vmem>> -> memref<1x256xf32, #tpu.memory_space<vmem>>
      %dma_start3A_590 = tpu.memref_squeeze %dma_start3A_589 : memref<1x256xf32, #tpu.memory_space<vmem>> -> memref<256xf32, #tpu.memory_space<vmem>>
      tpu.enqueue_dma source(%dma_start3A_590 : memref<256xf32, #tpu.memory_space<vmem>>) target(%dma_start3A_587 : memref<256xf32, #tpu.memory_space<hbm>>) target_semaphore(%run_scoped3A_581 : memref<!tpu.dma_semaphore, #tpu.memory_space<semaphore_mem>>)
      %dma_wait3A = arith.constant 0 : i32
      %dma_wait3A_591 = tpu.memref_slice %arg12[%run_scoped3A_579, %dma_wait3A] : memref<6x256xf32, #tpu.memory_space<vmem>> -> memref<1x256xf32, #tpu.memory_space<vmem>>
      %dma_wait3A_592 = tpu.memref_squeeze %dma_wait3A_591 : memref<1x256xf32, #tpu.memory_space<vmem>> -> memref<256xf32, #tpu.memory_space<vmem>>
      %dma_wait3A_593 = tpu.memref_slice %arg3[%add3A_30, %run_scoped3A_580, %mul3A_578] : memref<8x6x1024xf32, #tpu.memory_space<hbm>> -> memref<1x1x256xf32, #tpu.memory_space<hbm>>
      %dma_wait3A_594 = tpu.memref_squeeze %dma_wait3A_593 : memref<1x1x256xf32, #tpu.memory_space<hbm>> -> memref<256xf32, #tpu.memory_space<hbm>>
      %dma_wait3A_595 = tpu.memref_slice %arg3[%add3A_30, %run_scoped3A_580, %mul3A_578] : memref<8x6x1024xf32, #tpu.memory_space<hbm>> -> memref<1x1x256xf32, #tpu.memory_space<hbm>>
      %dma_wait3A_596 = tpu.memref_squeeze %dma_wait3A_595 : memref<1x1x256xf32, #tpu.memory_space<hbm>> -> memref<256xf32, #tpu.memory_space<hbm>>
      %dma_wait3A_597 = arith.constant 0 : i32
      %dma_wait3A_598 = tpu.memref_slice %arg12[%run_scoped3A_579, %dma_wait3A_597] : memref<6x256xf32, #tpu.memory_space<vmem>> -> memref<1x256xf32, #tpu.memory_space<vmem>>
      %dma_wait3A_599 = tpu.memref_squeeze %dma_wait3A_598 : memref<1x256xf32, #tpu.memory_space<vmem>> -> memref<256xf32, #tpu.memory_space<vmem>>
      tpu.wait_dma2 semaphore(%run_scoped3A_581 : memref<!tpu.dma_semaphore, #tpu.memory_space<semaphore_mem>>) src(%dma_wait3A_599 : memref<256xf32, #tpu.memory_space<vmem>>) dst(%dma_wait3A_596 : memref<256xf32, #tpu.memory_space<hbm>>)
      tpu.yield
    }) : () -> ()
    return
  }
}

</mosaic_0001>

<sc_bundles>
// kernel: kernel.3.cloned.1.call-start
scs
__scs_entry_jumppad:
0x0: {  	(pc) =	sbr.rel $0x88, $3  }
0x1: {  	(tag) =	ssettag $0x0;
	lr =	simm.s32 $0x1  }
0x2: {  	[smem:$0x3FA0] =	sst lr;
	_ =	strace $0xD0000000  }
0x3: {  	_ = 	snop  }
0x4: {  	_ = 	snop  }
0x5: {  	_ = 	snop  }
0x6: {  	_ = 	snop  }
0x7: {  	_ = 	snop  }
__scs_overlays_trampoline_lowered:
0x8: {  	[smem:$0x3FAF] =	sst s0  }
0x9: {  	[smem:$0x3FB0] =	sst s1  }
0xa: {  	[smem:$0x3FB1] =	sst s2  }
0xb: {  	[smem:$0x3FB2] =	sst s3  }
0xc: {  	[smem:$0x3FB3] =	sst s4  }
0xd: {  	[smem:$0x3FB4] =	sst s5  }
0xe: {  	[smem:$0x3FB5] =	sst s6  }
0xf: {  	[smem:$0x3FB6] =	sst s7  }
0x10: {  	[smem:$0x3FB7] =	sst s8  }
0x11: {  	[smem:$0x3FB8] =	sst s9;
	s0 =	simm.s32 @!p0 $0x0  }
0x12: {  	s1 =	sld [smem:$0x3F9E];
	s0 =	simm.s32 @p0 $0x1  }
0x13: {  	[smem:$0x3FB9] =	sst s0;
	s0 =	simm.s32 @!p1 $0x0  }
0x14: {  	s2 =	sld [smem:$0x3F9D];
	s0 =	simm.s32 @p1 $0x1  }
0x15: {  	[smem:$0x3FBA] =	sst s0;
	s0 =	simm.s32 @!p2 $0x0  }
0x16: {  	s3 =	sld [smem:$0x3FDB];
	s0 =	simm.s32 @p2 $0x1  }
0x17: {  	s4 =	simm.s32 $0x1BF5;
	[smem:$0x3FBC] =	sst s0  }
0x18: {  	s0 =	sld [smem:$0x3F9F];
	_ =	swait.ge [sflag:s4], $0x0  }
0x19: {  	s7 =	sld [smem:$0x3FA0]  }
0x1a: {  	s8 =	sadd.s32 $0xFFFFE003, lr  }
0x1b: {  	s9 =	sadd.s32 $0xFFFFFEF7, lr;
	s5 =	simm.s32 $0xFFFFFFFF;
	p2 =	slt.u32 s8, $0xFFFFF086  }
0x1c: {  	p1 =	slt.u32 s9, $0xF7A;
	s5 =	simm.s32 @!p2 $0x0  }
0x1d: {  	s5 =	simm.s32 @p1 $0x1;
	p0 =	seq.s32 s7, s2  }
0x1e: {  	s7 =	smul.u32 @!p0 $0xF7A, s2;
	p2 =	seq.s32 @!p0 s5, $0x0  }
0x1f: {  	s9 =	smul.u32 $0xF7A, s1;
	s8 =	simm.s32 @!p0 $0x1BF5;
	p2 =	por !p2, p0  }
0x20: {  	[sflag:s8] =	ssyncset.s32 @!p0 $0xFFFFF086;
	s6 =	sadd.s32 @!p0 s3, s7;
	s7 =	simm.s32 @!p0 $0x108  }
0x21: {  	s3 =	sadd.s32 s3, s9;
	s6 =	sadd.s32 @!p0 $0x88, s6;
	s7 =	simm.s32 @p2 $0x1082  }
0x22: {  	[simem:s7], [sflag:s8] =	dma.local @!p0 [hbm:s6], $0xF7A  }
0x23: {  	s9 =	sor.u32 $0xD0000000, s2;
	s6 =	simm.s32 $0x108;
	_ =	swait.ge @!p0 [sflag:s8], $0x0  }
0x24: {  	s3 =	sadd.s32 $0x88, s3;
	s6 =	simm.s32 @!p1 $0x1082;
	[sflag:s4] =	ssyncset.s32 $0xFFFFF086  }
0x25: {  	[simem:s6], [sflag:s4] =	dma.local [hbm:s3], $0xF7A  }
0x26: {  	[smem:$0x3FA0] =	sst s1;
	(tag) =	ssettag s2;
	_ =	strace s9  }
0x27: {  	s1 =	sld [smem:$0x3FB0]  }
0x28: {  	s2 =	sld [smem:$0x3FB1]  }
0x29: {  	s4 =	sld [smem:$0x3FB3]  }
0x2a: {  	p0 =	seq.s32 s5, $0x0;
	s5 =	sld [smem:$0x3FB4]  }
0x2b: {  	s6 =	sld [smem:$0x3FB5]  }
0x2c: {  	s7 =	sld [smem:$0x3FB6]  }
0x2d: {  	s3 =	simm.s32 $0x108;
	s8 =	sld [smem:$0x3FB7]  }
0x2e: {  	s3 =	simm.s32 @!p0 $0x1082;
	s9 =	sld [smem:$0x3FB8]  }
0x2f: {  	lr =	sadd.s32 s0, s3;
	s0 =	sld [smem:$0x3FAF]  }
0x30: {  	s3 =	sld [smem:$0x3FB2]  }
0x31: {  	[smem:$0x3FBB] =	sst s10  }
0x32: {  	s10 =	sld [smem:$0x3FB9];
	_ =	sdelay $0x3  }
0x33: {  	p0 =	seq.s32 s10, $0x1;
	s10 =	sld [smem:$0x3FBB];
	_ =	sdelay $0x3  }
0x34: {  	[smem:$0x3FBB] =	sst s10  }
0x35: {  	s10 =	sld [smem:$0x3FBA];
	_ =	sdelay $0x3  }
0x36: {  	p1 =	seq.s32 s10, $0x1;
	s10 =	sld [smem:$0x3FBB];
	_ =	sdelay $0x3  }
0x37: {  	[smem:$0x3FBB] =	sst s10  }
0x38: {  	s10 =	sld [smem:$0x3FBC]  }
0x39: {  	_ = 	snop;
	(pc) =	sbr.ind lr, $3  }
0x3a: {  	_ = 	snop  }
0x3b: {  	_ = 	snop  }
0x3c: {  	p2 =	seq.s32 s10, $0x1;
	s10 =	sld [smem:$0x3FBB]  }
0x3d: {  	_ =	shalt  }
0x3e: {  	_ =	shalt  }
0x3f: {  	_ =	shalt  }
0x40: {  	_ =	shalt  }
0x41: {  	_ =	shalt  }
0x42: {  	_ =	shalt  }
0x43: {  	_ =	shalt  }
0x44: {  	_ =	shalt  }
0x45: {  	_ =	shalt  }
0x46: {  	_ =	shalt  }
0x47: {  	_ =	shalt  }
0x48: {  	_ =	shalt  }
0x49: {  	_ =	shalt  }
0x4a: {  	_ =	shalt  }
0x4b: {  	_ =	shalt  }
0x4c: {  	_ =	shalt  }
0x4d: {  	_ =	shalt  }
0x4e: {  	_ =	shalt  }
0x4f: {  	_ =	shalt  }
0x50: {  	_ =	shalt  }
0x51: {  	_ =	shalt  }
0x52: {  	_ =	shalt  }
0x53: {  	_ =	shalt  }
0x54: {  	_ =	shalt  }
0x55: {  	_ =	shalt  }
0x56: {  	_ =	shalt  }
0x57: {  	_ =	shalt  }
0x58: {  	_ =	shalt  }
0x59: {  	_ =	shalt  }
0x5a: {  	_ =	shalt  }
0x5b: {  	_ =	shalt  }
0x5c: {  	_ =	shalt  }
0x5d: {  	_ =	shalt  }
0x5e: {  	_ =	shalt  }
0x5f: {  	_ =	shalt  }
0x60: {  	_ =	shalt  }
0x61: {  	_ =	shalt  }
0x62: {  	_ =	shalt  }
0x63: {  	_ =	shalt  }
0x64: {  	_ =	shalt  }
0x65: {  	_ =	shalt  }
0x66: {  	_ =	shalt  }
0x67: {  	_ =	shalt  }
0x68: {  	_ =	shalt  }
0x69: {  	_ =	shalt  }
0x6a: {  	_ =	shalt  }
0x6b: {  	_ =	shalt  }
0x6c: {  	_ =	shalt  }
0x6d: {  	_ =	shalt  }
0x6e: {  	_ =	shalt  }
0x6f: {  	_ =	shalt  }
0x70: {  	_ =	shalt  }
0x71: {  	_ =	shalt  }
0x72: {  	_ =	shalt  }
0x73: {  	_ =	shalt  }
0x74: {  	_ =	shalt  }
0x75: {  	_ =	shalt  }
0x76: {  	_ =	shalt  }
0x77: {  	_ =	shalt  }
0x78: {  	_ =	shalt  }
0x79: {  	_ =	shalt  }
0x7a: {  	_ =	shalt  }
0x7b: {  	_ =	shalt  }
0x7c: {  	_ =	shalt  }
0x7d: {  	_ =	shalt  }
0x7e: {  	_ =	shalt  }
0x7f: {  	_ =	shalt  }
0x80: {  	_ =	shalt  }
0x81: {  	_ =	shalt  }
0x82: {  	_ =	shalt  }
0x83: {  	_ =	shalt  }
0x84: {  	_ =	shalt  }
0x85: {  	_ =	shalt  }
0x86: {  	_ =	shalt  }
0x87: {  	_ =	shalt  }
.Lfunc_end0:
.L_simem_size_0:
called_computation_lowered:
.L_overlay_start_0:
0x88: {  	s2 =	sld [smem:$0x3FD9]  }
0x89: {  	s3 =	sld [smem:$0x3FFE];
	_ =	sdelay $0x1  }
0x8a: {  	s1 =	srdreg.scid  }
0x8b: {  	s0 =	sand.u32 $0x1, s1  }
0x8c: {  	s16 =	sshll.u32 s0, $0xA;
	s2 =	sadd.s32 s3, s2  }
0x8d: {  	s2 =	sadd.s32 s2, s16  }
0x8e: {  	[smem:$0x3FC7] =	sst s2  }
0x8f: {  	_ = 	snop  }
0x90: {  	(tm) =	ssettm $0x1  }
0x91: {  	s17 =	sld [smem:$0x3FFB];
	_ =	sdelay $0x3  }
0x92: {  	_ =	strace s17  }
0x93: {  	s2 =	sld [smem:$0x3FFC];
	_ =	sdelay $0x3  }
0x94: {  	_ =	strace s2  }
0x95: {  	s2 =	sld [smem:$0x3FFD];
	_ =	sdelay $0x3  }
0x96: {  	_ =	strace s2  }
0x97: {  	_ =	strace $0x8FFFFFFF  }
0x98: {  	s18 =	sld [smem:$0x3FDB];
	_ =	sdelay $0x1  }
0x99: {  	s19 =	simm.s32 $_scs_section_size  }
0x9a: {  	s4 =	simm.s32 $_size__tile_overlayer_lowered;
	s5 =	simm.s32 $_tile_overlayer_lowered  }
0x9b: {  	s22 =	simm.s32 $0x1BFF;
	s21 =	sshll.u32 s5, $0x1;
	s2 =	sadd.s32 s19, s18  }
0x9c: {  	s6 =	simm.s32 $0x0;
	s20 =	sshll.u32 s4, $0x1;
	s4 =	sadd.s32 s21, s2  }
0x9d: {  	[timem:s6], [sflag:s22] =	dma.local [hbm:s4], s20  }
0x9e: {  	_ =	swait.ge [sflag:s22], s20  }
0x9f: {  	s3 =	ssub.s32 $0x0, s20;
	[sflag:s22] =	ssyncset.done $0x0  }
0xa0: {  	[sflag:s22] =	ssyncadd.s32 s3;
	_ =	sdelay $0x1  }
0xa1: {  	s23 =	simm.s32 $0x1B8B  }
0xa2: {  	_ =	swait.ge [sflag:s23], $0x1  }
0xa3: {  	[sflag:s23] =	ssyncset.done $0x0  }
0xa4: {  	s25 =	simm.s32 $0x1B8E;
	s24 =	sld [smem:$0x3FFE];
	[sflag:s23] =	ssyncadd.s32 $0xFFFFFFFF  }
0xa5: {  	s26 =	simm.s32 $execute0_lowered;
	[smem:$0x3FD2] =	sst s25  }
0xa6: {  	s4 =	sshll.u32 s26, $0x1;
	_ =	strace $0x80000046;
	[dreg:$0x1] =	wrdreg $0xFFFFFFFF  }
0xa7: {  	s28 =	simm.s32 $_size_execute0_lowered;
	s2 =	sadd.s32 s2, s4;
	[dreg:$0x0] =	wrdreg $0x0  }
0xa8: {  	s4 =	sshll.u32 s28, $0x1;
	[dreg:$0x2] =	wrdreg s2  }
0xa9: {  	[dreg:$0x3] =	wrdreg s4  }
0xaa: {  	[dreg:$0x4] =	wrdreg $0xC0  }
0xab: {  	_ =	task [dreg:s6], $0x5FFFF  }
0xac: {  	[dreg:$0x1] =	wrdreg $0xFFFFFFFF  }
0xad: {  	[dreg:$0x0] =	wrdreg $0x60  }
0xae: {  	[dreg:$0x2] =	wrdreg s24  }
0xaf: {  	[dreg:$0x3] =	wrdreg $0x19A000  }
0xb0: {  	[dreg:$0x4] =	wrdreg $0x9  }
0xb1: {  	_ =	task.clear_ibuf [dreg:s6], $0x5FFFF;
	_ =	strace $0x90000046  }
0xb2: {  	s29 =	simm.s32 $0x9;
	_ =	strace $0x80000048  }
0xb3: {  	_ =	swait.ge [sflag:s29], $0x1  }
0xb4: {  	[sflag:s29] =	ssyncadd.s32 $0xFFFFFFFF  }
0xb5: {  	_ =	strace $0x90000048  }
0xb6: {  	_ =	sfence  }
0xb7: {  	s30 =	sld [smem:$0x0];
	_ =	sdelay $0x2  }
0xb8: {  	s31 =	sshll.u32 s1, $0xD;
	s1 =	sshrl.u32 s1, $0x2  }
0xb9: {  	s3 =	sand.u32 $0x4000, s31;
	s1 =	sadd.s32 s1, s30  }
0xba: {  	s0 =	sor.u32 s3, s0;
	s1 =	sshll.u32 s1, $0x11  }
0xbb: {  	s0 =	sor.u32 s1, s0  }
0xbc: {  	s0 =	sadd.s32 $0x8F2B, s0  }
0xbd: {  	[sflag:s0] =	ssyncadd.remote.s32 $0x1  }
0xbe: {  	_ =	sfence.sel $0xFFFF  }
0xbf: {  	[dreg:$0x0] =	wrdreg $0xFFFFFFFF;
	(pc) =	sbr.abs _section_cstart, $3  }
0xc0: {  	[dreg:$0x1] =	wrdreg $0xFFFFFFFF  }
0xc1: {  	_ =	task.clear_ibuf [dreg:s6], $0x2FFFF;
	_ =	strace $0x9FFFFFFF  }
0xc2: {  	(tm) =	ssettm $0x7FFFFFFF  }
0xc3: {  	_ =	shalt  }
tec
execute0_lowered:
.L_overlay_start_1:
0x0: {  	(tag) =	ssettag $0x1  }
0x1: {  	s0 =	rddreg [dreg:$0x0]  }
0x2: {  	s2 =	rddreg [dreg:$0x1];
	s3 =	srdreg.scid  }
0x3: {  	s1 =	stileid.u32;
	s28 =	simm.s32 $0xC000;
	s29 =	simm.s32 $0x10000  }
0x4: {  	s30 =	simm.s32 $0x14000;
	s31 =	simm.s32 $0x19900;
	s5 =	sand.u32 $0x1, s3  }
0x5: {  	s3 =	simm.s32 $0x0;
	s4 =	sshrl.u32 s1, $0x2;
	s6 =	sshll.u32 s5, $0x2  }
0x6: {  	[smem:$0x7FF] =	sst s3;
	s5 =	ssub.s32 $0x2, s5;
	s6 =	sor.u32 s4, s6  }
0x7: {  	_ =	strace $0x80000047;
	s4 =	sand.u32 $0x3, s1;
	s14 =	sshrl.u32 s5, $0x1  }
0x8: {  	s7 =	sshll.u32 s6, $0xE;
	s6 =	sshll.u32 s6, $0xA;
	s15 =	ssub.s32 s5, s14  }
0x9: {  	s8 =	sshll.u32 s4, $0x8;
	s7 =	sadd.s32 s7, s0;
	s26 =	smax.u32 s15, $0x1  }
0xa: {  	s5 =	sshll.u32 s4, $0xC;
	s17 =	sadd.s32 $0x400, s7;
	[dreg:$0xd] =	wrdreg s26  }
0xb: {  	s6 =	sor.u32 s8, s6;
	s18 =	sadd.s32 $0x410, s7;
	[dreg:$0x3] =	wrdreg s17  }
0xc: {  	s12 =	sor.u32 $0x8040, s5;
	s19 =	sadd.s32 $0x420, s7;
	[dreg:$0x4] =	wrdreg s18  }
0xd: {  	s13 =	sor.u32 $0x4040, s5;
	s20 =	sadd.s32 $0x430, s7;
	[dreg:$0x5] =	wrdreg s19  }
0xe: {  	s0 =	sadd.s32 s6, s0;
	s21 =	sadd.s32 $0x440, s7;
	[dreg:$0x6] =	wrdreg s20  }
0xf: {  	s7 =	sadd.s32 $0x450, s7;
	s26 =	simm.s32 $0x8000;
	[dreg:$0x7] =	wrdreg s21  }
0x10: {  	s6 =	simm.s32 $0x0;
	[dreg:$0x8] =	wrdreg s7;
	s22 =	sadd.s32 $0x20400, s0  }
0x11: {  	s23 =	sadd.s32 $0x20410, s0;
	s24 =	sadd.s32 $0x20420, s0;
	[dreg:$0x9] =	wrdreg s22  }
0x12: {  	s25 =	sadd.s32 $0x20430, s0;
	s16 =	sadd.s32 $0x20440, s0;
	[dreg:$0xa] =	wrdreg s23  }
0x13: {  	s17 =	sadd.s32 $0x20450, s0;
	s19 =	sor.u32 $0x40, s5;
	[dreg:$0xb] =	wrdreg s24  }
0x14: {  	s0 =	simm.s32 $0x19980;
	[dreg:$0xc] =	wrdreg s25;
	s22 =	simm.s32 $0x80  }
0x15: {  	v0 =	vimm.f32 $+Inf;
	v1 =	vlaneseq.u32;
	s23 =	simm.s32 $0x400;
	s24 =	simm.s32 $0x1;
	s25 =	simm.s32 $0x4000  }
.LBB2_1:
0x16: {  	s7 =	rddreg [dreg:$0x3]  }
0x17: {  	[tilespmem:s3], [sflag:$0x1] =	stream.strided.gather [hbm4b:s7+s22], $0x4000, s23, s22, $0x38;
	[tilespmem:$0x19A40] =	vst v63  }
0x18: {  	_ =	swait.ge [sflag:s24], $0x4000  }
0x19: {  	[sflag:s24] =	ssyncset.done $0x0  }
0x1a: {  	s14 =	rddreg [dreg:$0x4];
	[sflag:s24] =	ssyncadd.s32 $0xFFFFC000  }
0x1b: {  	[tilespmem:s25], [sflag:$0x1] =	stream.strided.gather [hbm4b:s14+s22], $0x4000, s23, s22, $0x38;
	[tilespmem:$0x19A40] =	vst v63  }
0x1c: {  	_ =	swait.ge [sflag:s24], $0x4000  }
0x1d: {  	[sflag:s24] =	ssyncset.done $0x0  }
0x1e: {  	s15 =	rddreg [dreg:$0x5];
	[sflag:s24] =	ssyncadd.s32 $0xFFFFC000  }
0x1f: {  	[tilespmem:s26], [sflag:$0x1] =	stream.strided.gather [hbm4b:s15+s22], $0x4000, s23, s22, $0x38;
	[tilespmem:$0x19A40] =	vst v63  }
0x20: {  	_ =	swait.ge [sflag:s24], $0x4000  }
0x21: {  	[sflag:s24] =	ssyncset.done $0x0  }
0x22: {  	s18 =	rddreg [dreg:$0x6];
	[sflag:s24] =	ssyncadd.s32 $0xFFFFC000  }
0x23: {  	[tilespmem:s28], [sflag:$0x1] =	stream.strided.gather [hbm4b:s18+s22], $0x4000, s23, s22, $0x38;
	[tilespmem:$0x19A40] =	vst v63  }
0x24: {  	_ =	swait.ge [sflag:s24], $0x4000  }
0x25: {  	[sflag:s24] =	ssyncset.done $0x0  }
0x26: {  	s20 =	rddreg [dreg:$0x7];
	[sflag:s24] =	ssyncadd.s32 $0xFFFFC000  }
0x27: {  	[tilespmem:s29], [sflag:$0x1] =	stream.strided.gather [hbm4b:s20+s22], $0x4000, s23, s22, $0x38;
	[tilespmem:$0x19A40] =	vst v63  }
0x28: {  	_ =	swait.ge [sflag:s24], $0x4000  }
0x29: {  	[sflag:s24] =	ssyncset.done $0x0  }
0x2a: {  	s21 =	rddreg [dreg:$0x8];
	[sflag:s24] =	ssyncadd.s32 $0xFFFFC000  }
0x2b: {  	[tilespmem:s30], [sflag:$0x1] =	stream.strided.gather [hbm4b:s21+s22], $0x4000, s23, s22, $0x38;
	[tilespmem:$0x19A40] =	vst v63  }
0x2c: {  	_ =	swait.ge [sflag:s24], $0x4000  }
0x2d: {  	[sflag:s24] =	ssyncset.done $0x0  }
0x2e: {  	s7 =	simm.s32 $0x18040;
	[sflag:s24] =	ssyncadd.s32 $0xFFFFC000  }
0x2f: {  	[tilespmem:s7+$0xFFFFFFC0] =	vst v0  }
0x30: {  	[tilespmem:s7+$0x30] =	vst v0  }
0x31: {  	[tilespmem:s7+$0x20] =	vst v0  }
0x32: {  	[tilespmem:s7+$0x10] =	vst v0  }
0x33: {  	[tilespmem:s7+$0x0] =	vst v0  }
0x34: {  	[tilespmem:s7+$0xFFFFFFF0] =	vst v0  }
0x35: {  	s8 =	simm.s32 $0x0;
	[tilespmem:s7+$0xFFFFFFE0] =	vst v0  }
.LBB2_2:
0x36: {  	s8 =	sadd.s32 $0x80, s8;
	[tilespmem:s7+$0xFFFFFFD0] =	vst v0;
	s7 =	sadd.s32 $0x80, s7;
	v2 =	vimm.s32 $0x0  }
0x37: {  	[tilespmem:s7+$0xFFFFFFC0] =	vst v0;
	p0 =	slt.u32 s8, $0xF80  }
0x38: {  	[tilespmem:s7+$0x30] =	vst v0  }
.Ltmp0:
0x39: {  	[tilespmem:s7+$0x20] =	vst v0;
	(pc) =	sbr.rel @p0 .LBB2_2-.Ltmp0, $4  }
0x3a: {  	[tilespmem:s7+$0x10] =	vst v0  }
0x3b: {  	[tilespmem:s7+$0x0] =	vst v0  }
0x3c: {  	[tilespmem:s7+$0xFFFFFFF0] =	vst v0  }
0x3d: {  	[tilespmem:s7+$0xFFFFFFE0] =	vst v0  }
0x3e: {  	[tilespmem:s7+$0xFFFFFFD0] =	vst v0;
	s7 =	simm.s32 $0x0;
	v6 =	vimm.s32 $0x0  }
.LBB2_4:
0x3f: {  	s8 =	sshrl.u32 s7, $0x8  }
0x40: {  	p0 =	sne.s32 s8, s4  }
0x41: {  	v3 =	vmov @!p0 s7  }
0x42: {  	v3 =	vand.u32 @!p0 $0xFF, v3  }
0x43: {  	v7 =	vbroadcast @!p0 v3, $0x0;
	_ =	sdelay $0x3  }
0x44: {  	v4 =	vld.idx.msk [tilespmem:v6+s3+$0x0], $0xffff  }
0x45: {  	v5 =	vld.idx.msk [tilespmem:v6+s26+$0x0], $0xffff;
	s8 =	simm.s32 @!p0 $0x19000  }
0x46: {  	v3 =	vld.idx.msk [tilespmem:v6+s25+$0x0], $0xffff;
	[tilespmem:v7+s8+$0x0] =	vst.idx.msk @!p0 $0x1, v6  }
0x47: {  	v6 =	vld [tilespmem:s19+$0xFFFFFFD0]  }
0x48: {  	v8 =	vld [tilespmem:s19+$0xFFFFFFC0]  }
0x49: {  	v9 =	vld [tilespmem:s12+$0xFFFFFFC0]  }
0x4a: {  	v10 =	vld [tilespmem:s12+$0xFFFFFFD0]  }
0x4b: {  	v11 =	vld [tilespmem:s19+$0xFFFFFFE0]  }
0x4c: {  	v12 =	vld [tilespmem:s12+$0xFFFFFFE0]  }
0x4d: {  	v13 =	vld [tilespmem:s19+$0xFFFFFFF0]  }
0x4e: {  	v14 =	vld [tilespmem:s13+$0xFFFFFFE0]  }
0x4f: {  	v15 =	vld [tilespmem:s12+$0xFFFFFFF0]  }
0x50: {  	v16 =	vld [tilespmem:s13+$0xFFFFFFF0]  }
0x51: {  	v18 =	vld [tilespmem:s13+$0xFFFFFFC0];
	v12 =	vsub.f32 v12, v5  }
0x52: {  	v20 =	vld [tilespmem:s13+$0xFFFFFFD0];
	v11 =	vsub.f32 v11, v4;
	v13 =	vsub.f32 v13, v4  }
0x53: {  	v23 =	vld [tilespmem:s13+$0x10];
	v10 =	vsub.f32 v10, v5;
	v14 =	vsub.f32 v14, v3  }
0x54: {  	s8 =	simm.s32 $0x18040;
	v22 =	vld [tilespmem:s19+$0x10];
	v9 =	vsub.f32 v9, v5;
	v8 =	vsub.f32 v8, v4  }
0x55: {  	v7 =	vld [tilespmem:s8+$0xFFFFFFE0];
	v6 =	vsub.f32 v6, v4;
	v15 =	vsub.f32 v15, v5  }
0x56: {  	v17 =	vld [tilespmem:s12+$0x0];
	v18 =	vsub.f32 v18, v3;
	v16 =	vsub.f32 v16, v3;
	v12 =	vmul.f32 v12, v12  }
0x57: {  	v21 =	vld [tilespmem:s19+$0x0];
	v20 =	vsub.f32 v20, v3;
	v11 =	vmul.f32 v11, v11;
	v10 =	vmul.f32 v10, v10  }
0x58: {  	v25 =	vld [tilespmem:s12+$0x10];
	v26 =	vsub.f32 v23, v3;
	v9 =	vmul.f32 v9, v9;
	v8 =	vmul.f32 v8, v8  }
0x59: {  	v24 =	vld [tilespmem:s8+$0xFFFFFFC0];
	v22 =	vsub.f32 v22, v4;
	v6 =	vmul.f32 v6, v6;
	v15 =	vmul.f32 v15, v15  }
0x5a: {  	v27 =	vld [tilespmem:s12+$0x20];
	v13 =	vmul.f32 v13, v13;
	v8 =	vadd.f32 v9, v8;
	v9 =	vmul.f32 v18, v18  }
0x5b: {  	v6 =	vadd.f32 v10, v6;
	v10 =	vmul.f32 v20, v20;
	v20 =	vld [tilespmem:s8+$0xFFFFFFD0];
	v11 =	vadd.f32 v12, v11  }
0x5c: {  	v12 =	vadd.f32 v15, v13;
	v13 =	vld [tilespmem:s19+$0x20];
	v8 =	vadd.f32 v8, v9  }
0x5d: {  	v18 =	vld [tilespmem:s13+$0x0];
	v9 =	vmul.f32 v14, v14;
	v10 =	vadd.f32 v6, v10;
	v6 =	vmul.f32 v16, v16  }
0x5e: {  	v19 =	vimm.f32 $-1.000000000e+00;
	v25 =	vsub.f32 v25, v5;
	v14 =	vsub.f32 v17, v5;
	v17 =	vld [tilespmem:s13+$0x30]  }
0x5f: {  	v16 =	vld [tilespmem:s19+$0x30];
	v24 =	vmin.f32 v24, v8;
	v11 =	vadd.f32 v11, v9;
	v9 =	vadd.f32 v12, v6  }
0x60: {  	s9 =	sadd.s32 $0xFFFFFF80, s5;
	v6 =	vld [tilespmem:s8+$0x30];
	v14 =	vmul.f32 v14, v14;
	vm0 =	vgt.f32 v24, v19;
	v15 =	vmax.f32 v19, v24  }
0x61: {  	s10 =	sadd.s32 $0x80, s9;
	v8 =	vld [tilespmem:s8+$0x20];
	v19 =	vmin.f32 v20, v10;
	v20 =	vsub.f32 v21, v4;
	v28 =	vsub.f32 v13, v4  }
0x62: {  	v23 =	vsub.f32 v18, v3;
	v18 =	vld [tilespmem:s12+$0x30];
	[tilespmem:s8+$0xFFFFFFC0] =	vst v24;
	v24 =	vsub.f32 v27, v5;
	v12 =	vsel vm0, s10, v2  }
0x63: {  	s21 =	sadd.s32 $0x90, s9;
	vm0 =	vgt.f32 v19, v15;
	v21 =	vmax.f32 v15, v19;
	v7 =	vmin.f32 v7, v11;
	v15 =	vld [tilespmem:s13+$0x20]  }
0x64: {  	v13 =	vld [tilespmem:s8+$0x0];
	v12 =	vsel vm0, s21, v12;
	v10 =	vsub.f32 v17, v3;
	v17 =	vmul.f32 v20, v20  }
0x65: {  	s11 =	simm.s32 $0x180C0;
	s18 =	sadd.s32 $0x80, s19;
	s20 =	smov.u32 s12;
	[tilespmem:s8+$0xFFFFFFD0] =	vst v19;
	v11 =	vmax.f32 v21, v7;
	v20 =	vld [tilespmem:s8+$0xFFFFFFF0];
	vm0 =	vgt.f32 v7, v21;
	v21 =	vmul.f32 v22, v22  }
0x66: {  	s14 =	sadd.s32 $0xA0, s9;
	s10 =	simm.s32 $0x0;
	v19 =	vmul.f32 v28, v28;
	[tilespmem:s8+$0xFFFFFFE0] =	vst v7;
	s21 =	smov.u32 s13;
	v22 =	vadd.f32 v14, v17;
	v17 =	vmul.f32 v26, v26;
	v14 =	vld [tilespmem:s8+$0x10]  }
.LBB2_5:
0x67: {  	s20 =	sadd.s32 $0x80, s20  }
0x68: {  	v7 =	vld [tilespmem:s11+$0xFFFFFFE0];
	v12 =	vsel vm0, s14, v12;
	v23 =	vmul.f32 v23, v23;
	v15 =	vsub.f32 v15, v3;
	s21 =	sadd.s32 $0x80, s21;
	s14 =	smov.u32 s10;
	s10 =	sadd.s32 $0x80, s10  }
0x69: {  	v24 =	vmul.f32 v24, v24;
	v16 =	vsub.f32 v16, v4;
	v26 =	vld [tilespmem:s18+$0xFFFFFFD0];
	p0 =	slt.u32 s10, $0xF80;
	v25 =	vmul.f32 v25, v25  }
0x6a: {  	v18 =	vsub.f32 v18, v5;
	v27 =	vld [tilespmem:s18+$0xFFFFFFC0];
	v9 =	vmin.f32 v20, v9;
	v15 =	vmul.f32 v15, v15  }
0x6b: {  	v20 =	vld [tilespmem:s20+$0xFFFFFFC0];
	[tilespmem:s8+$0xFFFFFFF0] =	vst v9;
	vm0 =	vgt.f32 v9, v11;
	v9 =	vmax.f32 v11, v9;
	v11 =	vadd.f32 v25, v21  }
0x6c: {  	s15 =	sadd.s32 $0xB0, s9;
	v10 =	vmul.f32 v10, v10;
	v22 =	vadd.f32 v22, v23;
	v19 =	vadd.f32 v24, v19;
	v21 =	vld [tilespmem:s20+$0xFFFFFFD0]  }
0x6d: {  	v16 =	vmul.f32 v16, v16;
	v18 =	vmul.f32 v18, v18;
	v12 =	vsel vm0, s15, v12;
	v23 =	vld [tilespmem:s18+$0xFFFFFFE0]  }
0x6e: {  	v13 =	vmin.f32 v13, v22;
	v15 =	vadd.f32 v19, v15;
	v11 =	vadd.f32 v11, v17;
	v24 =	vld [tilespmem:s20+$0xFFFFFFE0]  }
0x6f: {  	s15 =	sadd.s32 $0xC0, s9;
	vm0 =	vgt.f32 v13, v9;
	v9 =	vmax.f32 v9, v13;
	v17 =	vld [tilespmem:s18+$0xFFFFFFF0];
	[tilespmem:s8+$0x0] =	vst v13;
	v13 =	vadd.f32 v18, v16  }
0x70: {  	v12 =	vsel vm0, s15, v12;
	v8 =	vmin.f32 v8, v15;
	v11 =	vmin.f32 v14, v11;
	v16 =	vld [tilespmem:s21+$0xFFFFFFE0]  }
0x71: {  	s15 =	sadd.s32 $0xD0, s9;
	vm0 =	vgt.f32 v11, v9;
	v9 =	vmax.f32 v9, v11;
	v14 =	vld [tilespmem:s20+$0xFFFFFFF0];
	[tilespmem:s8+$0x20] =	vst v8;
	v10 =	vadd.f32 v13, v10  }
0x72: {  	v13 =	vld [tilespmem:s21+$0xFFFFFFF0];
	[tilespmem:s8+$0x10] =	vst v11;
	v11 =	vsel vm0, s15, v12;
	s15 =	sadd.s32 $0xE0, s9;
	vm0 =	vgt.f32 v8, v9;
	v8 =	vmax.f32 v9, v8  }
0x73: {  	v9 =	vsub.f32 v24, v5;
	v12 =	vld [tilespmem:s20+$0x0];
	v11 =	vsel vm0, s15, v11;
	v6 =	vmin.f32 v6, v10  }
0x74: {  	v15 =	vsub.f32 v23, v4;
	v10 =	vld [tilespmem:s21+$0xFFFFFFC0];
	v17 =	vsub.f32 v17, v4;
	[tilespmem:s8+$0x30] =	vst v6;
	vm0 =	vgt.f32 v6, v8;
	s8 =	smov.u32 s11  }
0x75: {  	v19 =	vsub.f32 v21, v5;
	s9 =	sadd.s32 $0xF0, s9;
	v18 =	vld [tilespmem:s21+$0xFFFFFFD0];
	v16 =	vsub.f32 v16, v3;
	v9 =	vmul.f32 v9, v9  }
0x76: {  	v20 =	vsub.f32 v20, v5;
	v15 =	vmul.f32 v15, v15;
	v11 =	vsel vm0, s9, v11;
	v21 =	vld [tilespmem:s18+$0x0]  }
0x77: {  	v22 =	vsub.f32 v27, v4;
	v19 =	vmul.f32 v19, v19;
	v6 =	vmax.f32 v8, v6;
	v24 =	vld [tilespmem:s18+$0x10]  }
0x78: {  	v8 =	vmul.f32 v20, v20;
	v20 =	vsub.f32 v26, v4;
	v14 =	vsub.f32 v14, v5;
	v25 =	vld [tilespmem:s20+$0x10]  }
0x79: {  	v22 =	vmul.f32 v22, v22;
	v13 =	vsub.f32 v13, v3;
	v10 =	vsub.f32 v10, v3;
	v23 =	vld [tilespmem:s21+$0x10]  }
0x7a: {  	v20 =	vmul.f32 v20, v20;
	v14 =	vmul.f32 v14, v14;
	v26 =	vld [tilespmem:s11+$0xFFFFFFC0];
	v18 =	vsub.f32 v18, v3  }
0x7b: {  	v8 =	vadd.f32 v8, v22;
	v17 =	vmul.f32 v17, v17;
	v10 =	vmul.f32 v10, v10;
	v22 =	vld [tilespmem:s21+$0x0]  }
0x7c: {  	v9 =	vadd.f32 v9, v15;
	v19 =	vadd.f32 v19, v20;
	v18 =	vmul.f32 v18, v18;
	v20 =	vld [tilespmem:s11+$0xFFFFFFD0]  }
0x7d: {  	v14 =	vadd.f32 v14, v17;
	v8 =	vadd.f32 v8, v10;
	v10 =	vmul.f32 v16, v16;
	v16 =	vld [tilespmem:s18+$0x20]  }
0x7e: {  	v13 =	vmul.f32 v13, v13;
	v17 =	vsub.f32 v12, v5;
	v15 =	vadd.f32 v19, v18;
	v18 =	vld [tilespmem:s21+$0x30]  }
0x7f: {  	s9 =	sadd.s32 s14, s5;
	v8 =	vmin.f32 v26, v8;
	v10 =	vadd.f32 v9, v10;
	v26 =	vsub.f32 v23, v3;
	v19 =	vld [tilespmem:s20+$0x20]  }
0x80: {  	s14 =	sadd.s32 $0x80, s9;
	v9 =	vadd.f32 v14, v13;
	[tilespmem:s11+$0xFFFFFFC0] =	vst v8;
	vm0 =	vgt.f32 v8, v6;
	v12 =	vmax.f32 v6, v8;
	v6 =	vld [tilespmem:s11+$0x30]  }
0x81: {  	v14 =	vsub.f32 v21, v4;
	v11 =	vsel vm0, s14, v11;
	v13 =	vmin.f32 v20, v15;
	v8 =	vld [tilespmem:s11+$0x20]  }
0x82: {  	s14 =	sadd.s32 $0x90, s9;
	v7 =	vmin.f32 v7, v10;
	[tilespmem:s11+$0xFFFFFFD0] =	vst v13;
	vm0 =	vgt.f32 v13, v12;
	v13 =	vmax.f32 v12, v13;
	v15 =	vld [tilespmem:s21+$0x20]  }
.Ltmp1:
0x83: {  	v27 =	vsub.f32 v16, v4;
	v12 =	vsel vm0, s14, v11;
	[tilespmem:s11+$0xFFFFFFE0] =	vst v7;
	v16 =	vld [tilespmem:s18+$0x30];
	v10 =	vsub.f32 v18, v3;
	(pc) =	sbr.rel @p0 .LBB2_5-.Ltmp1, $4  }
0x84: {  	v21 =	vsub.f32 v24, v4;
	v23 =	vsub.f32 v22, v3;
	v14 =	vmul.f32 v14, v14;
	v18 =	vld [tilespmem:s20+$0x30]  }
0x85: {  	v17 =	vmul.f32 v17, v17;
	v11 =	vmax.f32 v13, v7;
	v24 =	vsub.f32 v19, v5;
	v20 =	vld [tilespmem:s11+$0xFFFFFFF0]  }
0x86: {  	v21 =	vmul.f32 v21, v21;
	vm0 =	vgt.f32 v7, v13;
	v19 =	vmul.f32 v27, v27;
	v13 =	vld [tilespmem:s11+$0x0]  }
0x87: {  	v25 =	vsub.f32 v25, v5;
	s14 =	sadd.s32 $0xA0, s9;
	v22 =	vadd.f32 v17, v14;
	v17 =	vmul.f32 v26, v26;
	s18 =	sadd.s32 $0x80, s18;
	s11 =	sadd.s32 $0x80, s11;
	v14 =	vld [tilespmem:s8+$0x10]  }
0x88: {  	v7 =	vmul.f32 v23, v23  }
0x89: {  	v4 =	vsub.f32 v16, v4;
	v59 =	vmul.f32 v25, v25;
	v5 =	vsub.f32 v18, v5  }
0x8a: {  	v3 =	vsub.f32 v15, v3;
	v60 =	vmul.f32 v24, v24;
	v10 =	vmul.f32 v10, v10  }
0x8b: {  	v4 =	vmul.f32 v4, v4;
	v61 =	vadd.f32 v59, v21;
	v5 =	vmul.f32 v5, v5  }
0x8c: {  	v3 =	vmul.f32 v3, v3;
	v7 =	vadd.f32 v22, v7;
	v15 =	vadd.f32 v60, v19  }
0x8d: {  	v9 =	vmin.f32 v20, v9;
	v16 =	vadd.f32 v61, v17;
	v4 =	vadd.f32 v5, v4  }
0x8e: {  	v7 =	vmin.f32 v13, v7;
	v3 =	vadd.f32 v15, v3;
	v5 =	vmax.f32 v11, v9  }
0x8f: {  	v13 =	vmax.f32 v5, v7;
	v14 =	vmin.f32 v14, v16;
	v4 =	vadd.f32 v4, v10  }
0x90: {  	v3 =	vmin.f32 v8, v3;
	v8 =	vmax.f32 v13, v14  }
0x91: {  	v62 =	vmax.f32 v8, v3;
	v4 =	vmin.f32 v6, v4  }
0x92: {  	v6 =	vmax.f32 v62, v4  }
0x93: {  	(xrf0) =	vmax.scan.msk.f32 $0xffff, v6;
	_ =	sdelay $0x1  }
0x94: {  	v12 =	vsel vm0, s14, v12;
	s10 =	sadd.s32 $0xB0, s9;
	vm15 =	vgt.f32 v9, v11  }
0x95: {  	s18 =	sadd.s32 $0xC0, s9;
	v11 =	vsel vm15, s10, v12;
	vm4 =	vgt.f32 v7, v5  }
0x96: {  	s20 =	sadd.s32 $0xD0, s9;
	v5 =	vsel vm4, s18, v11;
	vm5 =	vgt.f32 v14, v13  }
0x97: {  	s21 =	sadd.s32 $0xE0, s9;
	v5 =	vsel vm5, s20, v5;
	vm6 =	vgt.f32 v3, v8  }
0x98: {  	s11 =	sadd.s32 $0xF0, s9;
	v5 =	vsel vm6, s21, v5;
	vm7 =	vgt.f32 v4, v62;
	v8, _, _ =	vpop (xrf0)  }
0x99: {  	v5 =	vsel vm7, s11, v5;
	v8 =	vbroadcast v8, $0xF  }
0x9a: {  	v5 =	vadd.s32 v1, v5  }
0x9b: {  	v5 =	vxor.u32 $0x80000000, v5;
	vm8 =	veq.f32 v6, v8  }
0x9c: {  	v5 =	vnsel vm8, $0xFFFFFFFF, v5  }
0x9d: {  	(xrf0) =	vmin.scan.msk.u32 $0xffff, v5;
	_ =	sdelay $0x5  }
0x9e: {  	v5, _, _ =	vpop (xrf0)  }
0x9f: {  	(v2sf) =	vpush v5, $0xF;
	_ =	sdelay $0xd  }
0xa0: {  	[tilespmem:s8+$0xFFFFFFF0] =	vst v9  }
0xa1: {  	[tilespmem:s8+$0x0] =	vst v7;
	s14 =	spop (v2sf)  }
0xa2: {  	s15 =	sshll.u32 s7, $0x4;
	[tilespmem:s8+$0x20] =	vst v3;
	s9 =	sxor.u32 $0x80000000, s14  }
0xa3: {  	s18 =	sand.u32 $0x10, s15;
	[tilespmem:s8+$0x10] =	vst v14;
	v3 =	vmov s9  }
0xa4: {  	s20 =	sor.u32 s1, s18;
	[tilespmem:s8+$0x30] =	vst v4;
	v3 =	vbroadcast v3, $0x0  }
0xa5: {  	s8 =	sshll.u32 s20, $0x5;
	[tilespmem:$0x19900] =	vst v8  }
0xa6: {  	s8 =	sadd.s32 s8, s2;
	[tilespmem:$0x19910] =	vst v3  }
0xa7: {  	[spmem:s8] =	stream.linear.scatter [tilespmem:s31], [sflag:$0x1], $0x20, $0x38;
	[tilespmem:$0x19A40] =	vst v63  }
0xa8: {  	s21 =	sor.u32 s1, s15;
	_ =	swait.ge [sflag:s24], $0x20  }
0xa9: {  	s8 =	sshll.u32 s21, $0x5;
	[sflag:s24] =	ssyncset.done $0x0  }
0xaa: {  	s8 =	sand.u32 $0x380, s8;
	[sflag:s24] =	ssyncadd.s32 $0xFFFFFFE0  }
0xab: {  	s8 =	sadd.s32 s8, s2;
	[bflag:$0x0] =	sbarrier.arrive $0xFFFF  }
0xac: {  	[tilespmem:s0], [sflag:$0x1] =	stream.linear.gather [spmem:s8], $0x80, $0x38;
	[tilespmem:$0x19A40] =	vst v63  }
0xad: {  	_ =	swait.ge [sflag:s24], $0x80  }
0xae: {  	[sflag:s24] =	ssyncset.done $0x0  }
0xaf: {  	[sflag:s24] =	ssyncadd.s32 $0xFFFFFF80  }
0xb0: {  	v3 =	vld [tilespmem:$0x19980]  }
0xb1: {  	v4 =	vld [tilespmem:$0x19990]  }
0xb2: {  	v5 =	vld [tilespmem:$0x199A0]  }
0xb3: {  	v6 =	vld [tilespmem:$0x199B0];
	_ =	sdelay $0x2  }
0xb4: {  	v7 =	vld [tilespmem:$0x199C0]  }
0xb5: {  	v8 =	vld [tilespmem:$0x199D0]  }
0xb6: {  	vm9 =	veq.f32 v5, v3;
	vm1 =	vlt.s32 v6, v4  }
0xb7: {  	vm2 =	vgt.f32 v5, v3;
	vm0 =	vmand vm9, vm1  }
0xb8: {  	v63 =	vld [tilespmem:$0x199E0];
	vm0 =	vmor vm2, vm0  }
0xb9: {  	v3 =	vsel vm0, v5, v3;
	v4 =	vsel vm0, v6, v4;
	v5 =	vld [tilespmem:$0x199F0]  }
0xba: {  	vm10 =	veq.f32 v7, v3;
	vm11 =	vlt.s32 v8, v4  }
0xbb: {  	vm12 =	vgt.f32 v7, v3;
	vm0 =	vmand vm10, vm11  }
0xbc: {  	vm0 =	vmor vm12, vm0  }
0xbd: {  	v3 =	vsel vm0, v7, v3;
	v4 =	vsel vm0, v8, v4  }
0xbe: {  	s7 =	sadd.s32 $0x1, s7;
	vm13 =	veq.f32 v63, v3;
	vm14 =	vlt.s32 v5, v4  }
0xbf: {  	p0 =	sne.s32 s7, $0x400;
	vm15 =	vgt.f32 v63, v3;
	vm0 =	vmand vm13, vm14  }
.Ltmp2:
0xc0: {  	vm0 =	vmor vm15, vm0;
	(pc) =	sbr.rel @p0 .LBB2_4-.Ltmp2, $4  }
0xc1: {  	v3 =	vsel vm0, v5, v4  }
0xc2: {  	vm0 =	vgt.s32 v3, $0x0  }
0xc3: {  	v3 =	vnsel vm0, $0x0, v3  }
0xc4: {  	v6 =	vmin.u32 v3, $0x3FFF  }
0xc5: {  	v2 =	vld [tilespmem:$0x19000];
	_ =	sdelay $0x7  }
0xc6: {  	v3 =	vld.idx.msk [tilespmem:v2+s3+$0x0], $0xffff;
	_ =	sdelay $0x4  }
0xc7: {  	[tilespmem:$0x19100] =	vst v3  }
0xc8: {  	v3 =	vld.idx.msk [tilespmem:v2+s25+$0x0], $0xffff;
	_ =	sdelay $0x4  }
0xc9: {  	[tilespmem:$0x19180] =	vst v3  }
0xca: {  	v3 =	vld.idx.msk [tilespmem:v2+s26+$0x0], $0xffff;
	_ =	sdelay $0x4  }
0xcb: {  	[tilespmem:$0x19200] =	vst v3  }
0xcc: {  	v3 =	vld.idx.msk [tilespmem:v2+s28+$0x0], $0xffff;
	_ =	sdelay $0x4  }
0xcd: {  	[tilespmem:$0x19280] =	vst v3  }
0xce: {  	v3 =	vld.idx.msk [tilespmem:v2+s29+$0x0], $0xffff;
	_ =	sdelay $0x3  }
0xcf: {  	v4 =	vld [tilespmem:$0x19010]  }
0xd0: {  	[tilespmem:$0x19300] =	vst v3  }
0xd1: {  	v2 =	vld.idx.msk [tilespmem:v2+s30+$0x0], $0xffff;
	_ =	sdelay $0x4  }
0xd2: {  	[tilespmem:$0x19380] =	vst v2  }
0xd3: {  	v2 =	vld.idx.msk [tilespmem:v4+s3+$0x0], $0xffff;
	_ =	sdelay $0x4  }
0xd4: {  	[tilespmem:$0x19110] =	vst v2  }
0xd5: {  	v2 =	vld.idx.msk [tilespmem:v4+s25+$0x0], $0xffff;
	_ =	sdelay $0x4  }
0xd6: {  	[tilespmem:$0x19190] =	vst v2  }
0xd7: {  	v2 =	vld.idx.msk [tilespmem:v4+s26+$0x0], $0xffff;
	_ =	sdelay $0x4  }
0xd8: {  	[tilespmem:$0x19210] =	vst v2  }
0xd9: {  	v2 =	vld.idx.msk [tilespmem:v4+s28+$0x0], $0xffff;
	_ =	sdelay $0x4  }
0xda: {  	[tilespmem:$0x19290] =	vst v2  }
0xdb: {  	v2 =	vld.idx.msk [tilespmem:v4+s29+$0x0], $0xffff;
	_ =	sdelay $0x3  }
0xdc: {  	v3 =	vld [tilespmem:$0x19020]  }
0xdd: {  	[tilespmem:$0x19310] =	vst v2  }
0xde: {  	v2 =	vld.idx.msk [tilespmem:v4+s30+$0x0], $0xffff;
	_ =	sdelay $0x4  }
0xdf: {  	[tilespmem:$0x19390] =	vst v2  }
0xe0: {  	v2 =	vld.idx.msk [tilespmem:v3+s3+$0x0], $0xffff;
	_ =	sdelay $0x4  }
0xe1: {  	[tilespmem:$0x19120] =	vst v2  }
0xe2: {  	v2 =	vld.idx.msk [tilespmem:v3+s25+$0x0], $0xffff;
	_ =	sdelay $0x4  }
0xe3: {  	[tilespmem:$0x191A0] =	vst v2  }
0xe4: {  	v2 =	vld.idx.msk [tilespmem:v3+s26+$0x0], $0xffff;
	_ =	sdelay $0x4  }
0xe5: {  	[tilespmem:$0x19220] =	vst v2  }
0xe6: {  	v2 =	vld.idx.msk [tilespmem:v3+s28+$0x0], $0xffff;
	_ =	sdelay $0x4  }
0xe7: {  	[tilespmem:$0x192A0] =	vst v2  }
0xe8: {  	v2 =	vld.idx.msk [tilespmem:v3+s29+$0x0], $0xffff;
	_ =	sdelay $0x3  }
0xe9: {  	v57 =	vld [tilespmem:$0x19030]  }
0xea: {  	[tilespmem:$0x19320] =	vst v2  }
0xeb: {  	v2 =	vld.idx.msk [tilespmem:v3+s30+$0x0], $0xffff;
	_ =	sdelay $0x4  }
0xec: {  	[tilespmem:$0x193A0] =	vst v2  }
0xed: {  	v2 =	vld.idx.msk [tilespmem:v57+s3+$0x0], $0xffff;
	_ =	sdelay $0x4  }
0xee: {  	[tilespmem:$0x19130] =	vst v2  }
0xef: {  	v2 =	vld.idx.msk [tilespmem:v57+s25+$0x0], $0xffff;
	_ =	sdelay $0x4  }
0xf0: {  	[tilespmem:$0x191B0] =	vst v2  }
0xf1: {  	v2 =	vld.idx.msk [tilespmem:v57+s26+$0x0], $0xffff;
	_ =	sdelay $0x4  }
0xf2: {  	[tilespmem:$0x19230] =	vst v2  }
0xf3: {  	v2 =	vld.idx.msk [tilespmem:v57+s28+$0x0], $0xffff;
	_ =	sdelay $0x4  }
0xf4: {  	[tilespmem:$0x192B0] =	vst v2  }
0xf5: {  	v2 =	vld.idx.msk [tilespmem:v57+s29+$0x0], $0xffff;
	_ =	sdelay $0x3  }
0xf6: {  	v3 =	vld [tilespmem:$0x19040]  }
0xf7: {  	[tilespmem:$0x19330] =	vst v2  }
0xf8: {  	v2 =	vld.idx.msk [tilespmem:v57+s30+$0x0], $0xffff;
	_ =	sdelay $0x4  }
0xf9: {  	[tilespmem:$0x193B0] =	vst v2  }
0xfa: {  	v2 =	vld.idx.msk [tilespmem:v3+s3+$0x0], $0xffff;
	_ =	sdelay $0x4  }
0xfb: {  	[tilespmem:$0x19140] =	vst v2  }
0xfc: {  	v2 =	vld.idx.msk [tilespmem:v3+s25+$0x0], $0xffff;
	_ =	sdelay $0x4  }
0xfd: {  	[tilespmem:$0x191C0] =	vst v2  }
0xfe: {  	v2 =	vld.idx.msk [tilespmem:v3+s26+$0x0], $0xffff;
	_ =	sdelay $0x4  }
0xff: {  	[tilespmem:$0x19240] =	vst v2  }
0x100: {  	v2 =	vld.idx.msk [tilespmem:v3+s28+$0x0], $0xffff;
	_ =	sdelay $0x4  }
0x101: {  	[tilespmem:$0x192C0] =	vst v2  }
0x102: {  	v2 =	vld.idx.msk [tilespmem:v3+s29+$0x0], $0xffff;
	_ =	sdelay $0x3  }
0x103: {  	v58 =	vld [tilespmem:$0x19050]  }
0x104: {  	[tilespmem:$0x19340] =	vst v2  }
0x105: {  	v2 =	vld.idx.msk [tilespmem:v3+s30+$0x0], $0xffff;
	_ =	sdelay $0x4  }
0x106: {  	[tilespmem:$0x193C0] =	vst v2  }
0x107: {  	v2 =	vld.idx.msk [tilespmem:v58+s3+$0x0], $0xffff;
	_ =	sdelay $0x4  }
0x108: {  	[tilespmem:$0x19150] =	vst v2  }
0x109: {  	v2 =	vld.idx.msk [tilespmem:v58+s25+$0x0], $0xffff;
	_ =	sdelay $0x4  }
0x10a: {  	[tilespmem:$0x191D0] =	vst v2  }
0x10b: {  	v2 =	vld.idx.msk [tilespmem:v58+s26+$0x0], $0xffff;
	_ =	sdelay $0x4  }
0x10c: {  	[tilespmem:$0x19250] =	vst v2  }
0x10d: {  	v2 =	vld.idx.msk [tilespmem:v58+s28+$0x0], $0xffff;
	_ =	sdelay $0x4  }
0x10e: {  	[tilespmem:$0x192D0] =	vst v2  }
0x10f: {  	v2 =	vld.idx.msk [tilespmem:v58+s29+$0x0], $0xffff;
	_ =	sdelay $0x3  }
0x110: {  	v3 =	vld [tilespmem:$0x19060]  }
0x111: {  	[tilespmem:$0x19350] =	vst v2  }
0x112: {  	v2 =	vld.idx.msk [tilespmem:v58+s30+$0x0], $0xffff;
	_ =	sdelay $0x4  }
0x113: {  	[tilespmem:$0x193D0] =	vst v2  }
0x114: {  	v2 =	vld.idx.msk [tilespmem:v3+s3+$0x0], $0xffff;
	_ =	sdelay $0x4  }
0x115: {  	[tilespmem:$0x19160] =	vst v2  }
0x116: {  	v2 =	vld.idx.msk [tilespmem:v3+s25+$0x0], $0xffff;
	_ =	sdelay $0x4  }
0x117: {  	[tilespmem:$0x191E0] =	vst v2  }
0x118: {  	v2 =	vld.idx.msk [tilespmem:v3+s26+$0x0], $0xffff;
	_ =	sdelay $0x4  }
0x119: {  	[tilespmem:$0x19260] =	vst v2  }
0x11a: {  	v2 =	vld.idx.msk [tilespmem:v3+s28+$0x0], $0xffff;
	_ =	sdelay $0x4  }
0x11b: {  	[tilespmem:$0x192E0] =	vst v2  }
0x11c: {  	v2 =	vld.idx.msk [tilespmem:v3+s29+$0x0], $0xffff;
	_ =	sdelay $0x3  }
0x11d: {  	v59 =	vld [tilespmem:$0x19070]  }
0x11e: {  	[tilespmem:$0x19360] =	vst v2  }
0x11f: {  	v2 =	vld.idx.msk [tilespmem:v3+s30+$0x0], $0xffff;
	_ =	sdelay $0x4  }
0x120: {  	[tilespmem:$0x193E0] =	vst v2  }
0x121: {  	v2 =	vld.idx.msk [tilespmem:v59+s3+$0x0], $0xffff;
	_ =	sdelay $0x4  }
0x122: {  	[tilespmem:$0x19170] =	vst v2  }
0x123: {  	v2 =	vld.idx.msk [tilespmem:v59+s25+$0x0], $0xffff;
	_ =	sdelay $0x4  }
0x124: {  	[tilespmem:$0x191F0] =	vst v2  }
0x125: {  	v2 =	vld.idx.msk [tilespmem:v59+s26+$0x0], $0xffff;
	_ =	sdelay $0x4  }
0x126: {  	[tilespmem:$0x19270] =	vst v2  }
0x127: {  	v2 =	vld.idx.msk [tilespmem:v59+s28+$0x0], $0xffff;
	_ =	sdelay $0x4  }
0x128: {  	[tilespmem:$0x192F0] =	vst v2  }
0x129: {  	v2 =	vld.idx.msk [tilespmem:v59+s29+$0x0], $0xffff;
	_ =	sdelay $0x3  }
0x12a: {  	v3 =	vld [tilespmem:$0x19080]  }
0x12b: {  	[tilespmem:$0x19370] =	vst v2  }
0x12c: {  	v2 =	vld.idx.msk [tilespmem:v59+s30+$0x0], $0xffff;
	_ =	sdelay $0x4  }
0x12d: {  	[tilespmem:$0x193F0] =	vst v2  }
0x12e: {  	v2 =	vld.idx.msk [tilespmem:v3+s3+$0x0], $0xffff;
	_ =	sdelay $0x4  }
0x12f: {  	[tilespmem:$0x19500] =	vst v2  }
0x130: {  	v2 =	vld.idx.msk [tilespmem:v3+s25+$0x0], $0xffff;
	_ =	sdelay $0x4  }
0x131: {  	[tilespmem:$0x19580] =	vst v2  }
0x132: {  	v2 =	vld.idx.msk [tilespmem:v3+s26+$0x0], $0xffff;
	_ =	sdelay $0x4  }
0x133: {  	[tilespmem:$0x19600] =	vst v2  }
0x134: {  	v2 =	vld.idx.msk [tilespmem:v3+s28+$0x0], $0xffff;
	_ =	sdelay $0x4  }
0x135: {  	[tilespmem:$0x19680] =	vst v2  }
0x136: {  	v2 =	vld.idx.msk [tilespmem:v3+s29+$0x0], $0xffff;
	_ =	sdelay $0x3  }
0x137: {  	v60 =	vld [tilespmem:$0x19090]  }
0x138: {  	[tilespmem:$0x19700] =	vst v2  }
0x139: {  	v2 =	vld.idx.msk [tilespmem:v3+s30+$0x0], $0xffff;
	_ =	sdelay $0x4  }
0x13a: {  	[tilespmem:$0x19780] =	vst v2  }
0x13b: {  	v2 =	vld.idx.msk [tilespmem:v60+s3+$0x0], $0xffff;
	_ =	sdelay $0x4  }
0x13c: {  	[tilespmem:$0x19510] =	vst v2  }
0x13d: {  	v2 =	vld.idx.msk [tilespmem:v60+s25+$0x0], $0xffff;
	_ =	sdelay $0x4  }
0x13e: {  	[tilespmem:$0x19590] =	vst v2  }
0x13f: {  	v2 =	vld.idx.msk [tilespmem:v60+s26+$0x0], $0xffff;
	_ =	sdelay $0x4  }
0x140: {  	[tilespmem:$0x19610] =	vst v2  }
0x141: {  	v2 =	vld.idx.msk [tilespmem:v60+s28+$0x0], $0xffff;
	_ =	sdelay $0x4  }
0x142: {  	[tilespmem:$0x19690] =	vst v2  }
0x143: {  	v2 =	vld.idx.msk [tilespmem:v60+s29+$0x0], $0xffff;
	_ =	sdelay $0x3  }
0x144: {  	v3 =	vld [tilespmem:$0x190A0]  }
0x145: {  	[tilespmem:$0x19710] =	vst v2  }
0x146: {  	v2 =	vld.idx.msk [tilespmem:v60+s30+$0x0], $0xffff;
	_ =	sdelay $0x4  }
0x147: {  	[tilespmem:$0x19790] =	vst v2  }
0x148: {  	v2 =	vld.idx.msk [tilespmem:v3+s3+$0x0], $0xffff;
	_ =	sdelay $0x4  }
0x149: {  	[tilespmem:$0x19520] =	vst v2  }
0x14a: {  	v2 =	vld.idx.msk [tilespmem:v3+s25+$0x0], $0xffff;
	_ =	sdelay $0x4  }
0x14b: {  	[tilespmem:$0x195A0] =	vst v2  }
0x14c: {  	v2 =	vld.idx.msk [tilespmem:v3+s26+$0x0], $0xffff;
	_ =	sdelay $0x4  }
0x14d: {  	[tilespmem:$0x19620] =	vst v2  }
0x14e: {  	v2 =	vld.idx.msk [tilespmem:v3+s28+$0x0], $0xffff;
	_ =	sdelay $0x4  }
0x14f: {  	[tilespmem:$0x196A0] =	vst v2  }
0x150: {  	v2 =	vld.idx.msk [tilespmem:v3+s29+$0x0], $0xffff;
	_ =	sdelay $0x3  }
0x151: {  	v61 =	vld [tilespmem:$0x190B0]  }
0x152: {  	[tilespmem:$0x19720] =	vst v2  }
0x153: {  	v2 =	vld.idx.msk [tilespmem:v3+s30+$0x0], $0xffff;
	_ =	sdelay $0x4  }
0x154: {  	[tilespmem:$0x197A0] =	vst v2  }
0x155: {  	v2 =	vld.idx.msk [tilespmem:v61+s3+$0x0], $0xffff;
	_ =	sdelay $0x4  }
0x156: {  	[tilespmem:$0x19530] =	vst v2  }
0x157: {  	v2 =	vld.idx.msk [tilespmem:v61+s25+$0x0], $0xffff;
	_ =	sdelay $0x4  }
0x158: {  	[tilespmem:$0x195B0] =	vst v2  }
0x159: {  	v2 =	vld.idx.msk [tilespmem:v61+s26+$0x0], $0xffff;
	_ =	sdelay $0x4  }
0x15a: {  	[tilespmem:$0x19630] =	vst v2  }
0x15b: {  	v2 =	vld.idx.msk [tilespmem:v61+s28+$0x0], $0xffff;
	_ =	sdelay $0x4  }
0x15c: {  	[tilespmem:$0x196B0] =	vst v2  }
0x15d: {  	v2 =	vld.idx.msk [tilespmem:v61+s29+$0x0], $0xffff;
	_ =	sdelay $0x3  }
0x15e: {  	v3 =	vld [tilespmem:$0x190C0]  }
0x15f: {  	[tilespmem:$0x19730] =	vst v2  }
0x160: {  	v2 =	vld.idx.msk [tilespmem:v61+s30+$0x0], $0xffff;
	_ =	sdelay $0x4  }
0x161: {  	[tilespmem:$0x197B0] =	vst v2  }
0x162: {  	v2 =	vld.idx.msk [tilespmem:v3+s3+$0x0], $0xffff;
	_ =	sdelay $0x4  }
0x163: {  	[tilespmem:$0x19540] =	vst v2  }
0x164: {  	v2 =	vld.idx.msk [tilespmem:v3+s25+$0x0], $0xffff;
	_ =	sdelay $0x4  }
0x165: {  	[tilespmem:$0x195C0] =	vst v2  }
0x166: {  	v2 =	vld.idx.msk [tilespmem:v3+s26+$0x0], $0xffff;
	_ =	sdelay $0x4  }
0x167: {  	[tilespmem:$0x19640] =	vst v2  }
0x168: {  	v2 =	vld.idx.msk [tilespmem:v3+s28+$0x0], $0xffff;
	_ =	sdelay $0x4  }
0x169: {  	[tilespmem:$0x196C0] =	vst v2  }
0x16a: {  	v2 =	vld.idx.msk [tilespmem:v3+s29+$0x0], $0xffff;
	_ =	sdelay $0x3  }
0x16b: {  	v62 =	vld [tilespmem:$0x190D0]  }
0x16c: {  	[tilespmem:$0x19740] =	vst v2  }
0x16d: {  	v2 =	vld.idx.msk [tilespmem:v3+s30+$0x0], $0xffff;
	_ =	sdelay $0x4  }
0x16e: {  	[tilespmem:$0x197C0] =	vst v2  }
0x16f: {  	v2 =	vld.idx.msk [tilespmem:v62+s3+$0x0], $0xffff;
	_ =	sdelay $0x4  }
0x170: {  	[tilespmem:$0x19550] =	vst v2  }
0x171: {  	v2 =	vld.idx.msk [tilespmem:v62+s25+$0x0], $0xffff;
	_ =	sdelay $0x4  }
0x172: {  	[tilespmem:$0x195D0] =	vst v2  }
0x173: {  	v2 =	vld.idx.msk [tilespmem:v62+s26+$0x0], $0xffff;
	_ =	sdelay $0x4  }
0x174: {  	[tilespmem:$0x19650] =	vst v2  }
0x175: {  	v2 =	vld.idx.msk [tilespmem:v62+s28+$0x0], $0xffff;
	_ =	sdelay $0x4  }
0x176: {  	[tilespmem:$0x196D0] =	vst v2  }
0x177: {  	v2 =	vld.idx.msk [tilespmem:v62+s29+$0x0], $0xffff;
	_ =	sdelay $0x3  }
0x178: {  	v3 =	vld [tilespmem:$0x190E0]  }
0x179: {  	[tilespmem:$0x19750] =	vst v2  }
0x17a: {  	v2 =	vld.idx.msk [tilespmem:v62+s30+$0x0], $0xffff;
	_ =	sdelay $0x4  }
0x17b: {  	[tilespmem:$0x197D0] =	vst v2  }
0x17c: {  	v2 =	vld.idx.msk [tilespmem:v3+s3+$0x0], $0xffff;
	_ =	sdelay $0x4  }
0x17d: {  	[tilespmem:$0x19560] =	vst v2  }
0x17e: {  	v2 =	vld.idx.msk [tilespmem:v3+s25+$0x0], $0xffff;
	_ =	sdelay $0x4  }
0x17f: {  	[tilespmem:$0x195E0] =	vst v2  }
0x180: {  	v2 =	vld.idx.msk [tilespmem:v3+s26+$0x0], $0xffff;
	_ =	sdelay $0x4  }
0x181: {  	[tilespmem:$0x19660] =	vst v2  }
0x182: {  	v2 =	vld.idx.msk [tilespmem:v3+s28+$0x0], $0xffff;
	_ =	sdelay $0x4  }
0x183: {  	[tilespmem:$0x196E0] =	vst v2  }
0x184: {  	v2 =	vld.idx.msk [tilespmem:v3+s29+$0x0], $0xffff;
	_ =	sdelay $0x3  }
0x185: {  	v63 =	vld [tilespmem:$0x190F0]  }
0x186: {  	[tilespmem:$0x19760] =	vst v2  }
0x187: {  	v2 =	vld.idx.msk [tilespmem:v3+s30+$0x0], $0xffff;
	_ =	sdelay $0x4  }
0x188: {  	[tilespmem:$0x197E0] =	vst v2  }
0x189: {  	v2 =	vld.idx.msk [tilespmem:v63+s3+$0x0], $0xffff;
	_ =	sdelay $0x4  }
0x18a: {  	[tilespmem:$0x19570] =	vst v2  }
0x18b: {  	v2 =	vld.idx.msk [tilespmem:v63+s25+$0x0], $0xffff;
	_ =	sdelay $0x4  }
0x18c: {  	[tilespmem:$0x195F0] =	vst v2  }
0x18d: {  	v2 =	vld.idx.msk [tilespmem:v63+s26+$0x0], $0xffff;
	_ =	sdelay $0x4  }
0x18e: {  	[tilespmem:$0x19670] =	vst v2  }
0x18f: {  	v2 =	vld.idx.msk [tilespmem:v63+s28+$0x0], $0xffff;
	_ =	sdelay $0x4  }
0x190: {  	[tilespmem:$0x196F0] =	vst v2  }
0x191: {  	v2 =	vld.idx.msk [tilespmem:v63+s29+$0x0], $0xffff;
	_ =	sdelay $0x4  }
0x192: {  	[tilespmem:$0x19770] =	vst v2  }
0x193: {  	v2 =	vld.idx.msk [tilespmem:v63+s30+$0x0], $0xffff;
	_ =	sdelay $0x4  }
0x194: {  	s7 =	rddreg [dreg:$0x9];
	s8 =	simm.s32 $0x19100;
	[tilespmem:$0x197F0] =	vst v2  }
0x195: {  	[hbm4b:s7+s3] =	stream.linear.scatter [tilespmem:s8], [sflag:$0x1], $0x80, $0x38;
	[tilespmem:$0x19A40] =	vst v63  }
0x196: {  	s21 =	simm.s32 $0x19500;
	s7 =	sadd.s32 $0x80, s7  }
0x197: {  	[hbm4b:s7+s3] =	stream.linear.scatter [tilespmem:s21], [sflag:$0x1], $0x80, $0x38;
	[tilespmem:$0x19A40] =	vst v63  }
0x198: {  	_ =	swait.ge [sflag:s24], $0x100  }
0x199: {  	[sflag:s24] =	ssyncset.done $0x0  }
0x19a: {  	s10 =	simm.s32 $0x19180;
	s9 =	rddreg [dreg:$0xa];
	[sflag:s24] =	ssyncadd.s32 $0xFFFFFF00  }
0x19b: {  	[hbm4b:s9+s3] =	stream.linear.scatter [tilespmem:s10], [sflag:$0x1], $0x80, $0x38;
	[tilespmem:$0x19A40] =	vst v63  }
0x19c: {  	s11 =	simm.s32 $0x19580;
	s7 =	sadd.s32 $0x80, s9  }
0x19d: {  	[hbm4b:s7+s3] =	stream.linear.scatter [tilespmem:s11], [sflag:$0x1], $0x80, $0x38;
	[tilespmem:$0x19A40] =	vst v63  }
0x19e: {  	_ =	swait.ge [sflag:s24], $0x100  }
0x19f: {  	[sflag:s24] =	ssyncset.done $0x0  }
0x1a0: {  	s15 =	simm.s32 $0x19200;
	s14 =	rddreg [dreg:$0xb];
	[sflag:s24] =	ssyncadd.s32 $0xFFFFFF00  }
0x1a1: {  	[hbm4b:s14+s3] =	stream.linear.scatter [tilespmem:s15], [sflag:$0x1], $0x80, $0x38;
	[tilespmem:$0x19A40] =	vst v63  }
0x1a2: {  	s18 =	simm.s32 $0x19600;
	s7 =	sadd.s32 $0x80, s14  }
0x1a3: {  	[hbm4b:s7+s3] =	stream.linear.scatter [tilespmem:s18], [sflag:$0x1], $0x80, $0x38;
	[tilespmem:$0x19A40] =	vst v63  }
0x1a4: {  	_ =	swait.ge [sflag:s24], $0x100  }
0x1a5: {  	[sflag:s24] =	ssyncset.done $0x0  }
0x1a6: {  	s21 =	simm.s32 $0x19280;
	s20 =	rddreg [dreg:$0xc];
	[sflag:s24] =	ssyncadd.s32 $0xFFFFFF00  }
0x1a7: {  	[hbm4b:s20+s3] =	stream.linear.scatter [tilespmem:s21], [sflag:$0x1], $0x80, $0x38;
	[tilespmem:$0x19A40] =	vst v63  }
0x1a8: {  	s9 =	simm.s32 $0x19680;
	s7 =	sadd.s32 $0x80, s20  }
0x1a9: {  	[hbm4b:s7+s3] =	stream.linear.scatter [tilespmem:s9], [sflag:$0x1], $0x80, $0x38;
	[tilespmem:$0x19A40] =	vst v63  }
0x1aa: {  	_ =	swait.ge [sflag:s24], $0x100  }
0x1ab: {  	[sflag:s24] =	ssyncset.done $0x0  }
0x1ac: {  	s10 =	simm.s32 $0x19300;
	[sflag:s24] =	ssyncadd.s32 $0xFFFFFF00  }
0x1ad: {  	[hbm4b:s16+s3] =	stream.linear.scatter [tilespmem:s10], [sflag:$0x1], $0x80, $0x38;
	[tilespmem:$0x19A40] =	vst v63  }
0x1ae: {  	s11 =	sadd.s32 $0x80, s16;
	s14 =	simm.s32 $0x19700  }
0x1af: {  	[hbm4b:s11+s3] =	stream.linear.scatter [tilespmem:s14], [sflag:$0x1], $0x80, $0x38;
	[tilespmem:$0x19A40] =	vst v63  }
0x1b0: {  	_ =	swait.ge [sflag:s24], $0x100  }
0x1b1: {  	[sflag:s24] =	ssyncset.done $0x0  }
0x1b2: {  	s15 =	simm.s32 $0x19380;
	[sflag:s24] =	ssyncadd.s32 $0xFFFFFF00  }
0x1b3: {  	[hbm4b:s17+s3] =	stream.linear.scatter [tilespmem:s15], [sflag:$0x1], $0x80, $0x38;
	[tilespmem:$0x19A40] =	vst v63  }
0x1b4: {  	s18 =	sadd.s32 $0x80, s17;
	s20 =	simm.s32 $0x19780  }
0x1b5: {  	[hbm4b:s18+s3] =	stream.linear.scatter [tilespmem:s20], [sflag:$0x1], $0x80, $0x38;
	[tilespmem:$0x19A40] =	vst v63  }
0x1b6: {  	_ =	swait.ge [sflag:s24], $0x100  }
0x1b7: {  	s6 =	sadd.s32 $0x1, s6;
	s21 =	rddreg [dreg:$0xd]  }
0x1b8: {  	p0 =	sne.s32 s6, s21  }
.Ltmp3:
0x1b9: {  	_ = 	snop;
	(pc) =	sbr.rel @p0 .LBB2_1-.Ltmp3, $3  }
0x1ba: {  	_ =	sdelay $0x1  }
0x1bb: {  	[sflag:s24] =	ssyncset.done $0x0  }
0x1bc: {  	[sflag:s24] =	ssyncadd.s32 $0xFFFFFF00  }
0x1bd: {  	_ =	sfence.sel $0x180000  }
0x1be: {  	[bflag:$0x0] =	sbarrier.arrive $0xFFFF  }
0x1bf: {  	_ =	strace $0x90000047  }
0x1c0: {  	[bflag:$0x2] =	sbarrier.arrive $0xFFFF  }
0x1c1: {  	p0 =	sne.s32 s1, $0x0;
	s0 =	rddreg [dreg:$0x2]  }
0x1c2: {  	s0 =	sadd.s32 @!p0 $0x100000, s0  }
0x1c3: {  	[sflag:s0] =	ssyncadd.tile.s32 @!p0 $0x1;
	_ =	shalt  }
.Lfunc_end2:
_tile_overlayer_lowered:
.L_overlay_start_2:
0x1c4: {  	(tag) =	ssettag $0x2  }
0x1c5: {  	s0 =	rddreg [dreg:$0x0];
	s2 =	stileid.u32  }
0x1c6: {  	s1 =	rddreg [dreg:$0x1];
	p0 =	sne.s32 s2, $0x0  }
0x1c7: {  	s3 =	rddreg [dreg:$0x2];
	[bflag:$0x3] =	sbarrier.arrive $0xFFFF;
	s2 =	simm.s32 @!p0 $0x1C01  }
0x1c8: {  	[timem:s3], [sflag:s2] =	dma.local @!p0 [hbm:s0], s1  }
0x1c9: {  	s0 =	simm.s32 @!p0 $0x1  }
0x1ca: {  	_ =	swait.ge @!p0 [sflag:s0], s1  }
0x1cb: {  	s1 =	ssub.s32 @!p0 $0x0, s1;
	[sflag:s0] =	ssyncset.done @!p0 $0x0  }
0x1cc: {  	[sflag:s0] =	ssyncadd.s32 @!p0 s1  }
0x1cd: {  	[bflag:$0x3] =	sbarrier.arrive $0xFFFF  }
0x1ce: {  	_ =	shalt  }

</sc_bundles>
